<compile_context>
chip_gen: v7x
topology: tpu7x:2x2x1
jax: 0.10.2.dev20260603
libtpu: 0.0.44.dev20260713+nightly
codegen_flags: <defaults>
</compile_context>

<pallas_src>
import functools
import math

import jax
import jax.numpy as jnp
from jax import lax
from jax.experimental import pallas as pl
from jax.experimental.pallas import tpu as pltpu
from jax.experimental.pallas import tpu_sc as plsc

_EMB = 64
_B = 4096
_L = 200
_NC = 2
_NS = 16
_NW = _NC * _NS
_LANES = 16
_PER_W = _B // _NW
_NPAIR = _PER_W // 2
_IW = _L // 2
_SCALE = math.sqrt(_EMB)
_VOCAB = 1000000


def _build():
    mesh = plsc.VectorSubcoreMesh(core_axis_name="c", subcore_axis_name="s")

    @functools.partial(
        pl.kernel,
        mesh=mesh,
        out_type=jax.ShapeDtypeStruct((_B, _L, _EMB), jnp.float32),
        scratch_types=[
            pltpu.VMEM((2, 2, _IW), jnp.int32),
            pltpu.VMEM((2, _L, 2 * _EMB), jnp.float32),
            pltpu.VMEM((2, _L, _EMB), jnp.float32),
            pltpu.SemaphoreType.DMA,
            pltpu.SemaphoreType.DMA,
            pltpu.SemaphoreType.DMA,
            pltpu.SemaphoreType.DMA,
        ],
    )
    def emb(tok_hbm, tab_hbm, out_hbm, idx_v, rows_v, outb_v, g0, g1, s0, s1):
        wid = lax.axis_index("s") * _NC + lax.axis_index("c")
        base = pl.multiple_of(wid * _PER_W, _PER_W)
        gsems = (g0, g1)
        ssems = (s0, s1)

        def prep_idx(ci, buf):
            off = base + ci
            pltpu.sync_copy(tok_hbm.at[pl.ds(off, 1)],
                            idx_v.at[pl.ds(buf, 1)])

        def fire_g(buf):
            for g in range(2):
                pltpu.async_copy(
                    tab_hbm.at[idx_v.at[buf, g]],
                    rows_v.at[buf, pl.ds(g * _IW, _IW)],
                    gsems[buf],
                )

        def wait_g(buf):
            for g in range(2):
                pltpu.make_async_copy(
                    tab_hbm.at[idx_v.at[buf, g]],
                    rows_v.at[buf, pl.ds(g * _IW, _IW)],
                    gsems[buf],
                ).wait()

        def fire_store(buf, off):
            pltpu.async_copy(outb_v.at[pl.ds(buf, 1)],
                             out_hbm.at[pl.ds(off, 1)],
                             ssems[buf])

        def wait_store(buf):
            pltpu.make_async_copy(outb_v.at[pl.ds(buf, 1)],
                                  out_hbm.at[pl.ds(base, 1)],
                                  ssems[buf]).wait()

        def scale(buf):
            def row_body(r, c):
                for j in range(_EMB // _LANES):
                    sl = pl.ds(j * _LANES, _LANES)
                    outb_v[buf, r, sl] = rows_v[buf, r, sl] * _SCALE
                return c

            lax.fori_loop(0, _L, row_body, 0, unroll=8)

        prep_idx(0, 0)
        fire_g(0)

        def pair_body(k, carry):
            i0 = 2 * k
            off0 = base + i0
            off1 = off0 + 1

            @pl.when(k > 0)
            def _():
                wait_store(1)

            prep_idx(i0 + 1, 1)
            fire_g(1)

            wait_g(0)
            scale(0)
            fire_store(0, off0)

            wait_g(1)

            @pl.when(k < _NPAIR - 1)
            def _():
                wait_store(0)
                prep_idx(i0 + 2, 0)
                fire_g(0)

            scale(1)
            fire_store(1, off1)
            return carry

        lax.fori_loop(0, _NPAIR, pair_body, 0)
        wait_store(0)
        wait_store(1)

    return emb


_emb = _build()


@jax.jit
def kernel(tokens, table):
    tok = tokens.astype(jnp.int32).reshape(_B, 2, _IW)
    tab = jnp.pad(table, ((0, 0), (0, _EMB)))
    return _emb(tok, tab)

# --- scband reference (transcript-rebuilt; emitter-appended) ---
"""Pipeline reference for scband-token-embedding-18459769438608 (READ-ONLY COPY).

The authoritative reference and input builder live on the scoring server;
editing this copy changes nothing except your own understanding.
"""

import jax, jax.numpy as jnp
import numpy as np
import math

VOCAB = 1000000
EMB = 64
PAD_IDX = 0
B = 4096
L = 200

def setup_inputs(seed: int = 0) -> dict:
    key = jax.random.key(seed)
    k_tok, k_tab = jax.random.split(key)
    tokens = jax.random.randint(k_tok, (B, L), 0, VOCAB, dtype=jnp.int64 if jax.config.jax_enable_x64 else jnp.int32)
    table = jax.random.normal(k_tab, (VOCAB, EMB), dtype=jnp.float32)
    # padding_idx row is zero-initialized in torch.nn.Embedding
    table = table.at[PAD_IDX].set(0.0)
    return {"tokens": tokens, "table": table}

def reference(tokens, table):
    # TokenEmbedding.forward: embedding(tokens.long()) * sqrt(n_embed)
    # padding_idx semantics: row PAD_IDX always embeds to zeros
    table_eff = table.at[PAD_IDX].set(0.0)
    emb = jnp.take(table_eff, tokens.astype(jnp.int32), axis=0)
    return emb * math.sqrt(EMB)

if __name__ == "__main__":
    import jax
    _d = setup_inputs()
    print(jax.jit(kernel)(*tuple(_d.values())))

</pallas_src>

<mosaic_0001>
#map = affine_map<(d0, d1) -> (0, 0, 0)>
#map1 = affine_map<(d0, d1) -> (0, 0)>
module attributes {stable_mosaic.version = 14 : i64} {
  func.func @emb(%arg0: i32, %arg1: i32, %arg2: memref<4096x2x100xi32, #tpu.memory_space<hbm>>, %arg3: memref<1000000x128xf32, #tpu.memory_space<hbm>>, %arg4: memref<4096x200x64xf32, #tpu.memory_space<hbm>>, %arg5: memref<2x2x100xi32, #tpu.memory_space<vmem>>, %arg6: memref<2x200x128xf32, #tpu.memory_space<vmem>>, %arg7: memref<2x200x64xf32, #tpu.memory_space<vmem>>, %arg8: memref<!tpu.dma_semaphore, #tpu.memory_space<semaphore_mem>>, %arg9: memref<!tpu.dma_semaphore, #tpu.memory_space<semaphore_mem>>, %arg10: memref<!tpu.dma_semaphore, #tpu.memory_space<semaphore_mem>>, %arg11: memref<!tpu.dma_semaphore, #tpu.memory_space<semaphore_mem>>) attributes {dimension_semantics = [#tpu.dimension_semantics<core_parallel>, #tpu.dimension_semantics<subcore_parallel>], iteration_bounds = array<i64: 2, 16>, scalar_prefetch = 0 : i64, scratch_operands = 7 : i64, tpu.core_type = #tpu.core_type<sc_vector_subcore>, window_params = [{transform_indices = #map}, {transform_indices = #map1}, {transform_indices = #map}]} {
    %mul3A = arith.constant 2 : i32
    %mul3A_0 = arith.muli %arg1, %mul3A : i32
    %add3A = arith.addi %mul3A_0, %arg0 : i32
    %mul3A_1 = arith.constant 128 : i32
    %mul3A_2 = arith.muli %add3A, %mul3A_1 : i32
    %multiple_of3A = tpu.assume_multiple %mul3A_2, 128 : i32
    %add3A_3 = arith.constant 0 : i32
    %add3A_4 = arith.addi %multiple_of3A, %add3A_3 : i32
    "tpu.region"() ({
      %run_scoped3A = tpu.sem_alloc : memref<!tpu.dma_semaphore, #tpu.memory_space<semaphore_mem>>
      %dma_start3A_62 = arith.constant 0 : i32
      %dma_start3A_63 = arith.constant 0 : i32
      %dma_start3A_64 = arith.constant 0 : i32
      %dma_start3A_65 = tpu.memref_slice %arg5[%dma_start3A_62, %dma_start3A_63, %dma_start3A_64] : memref<2x2x100xi32, #tpu.memory_space<vmem>> -> memref<1x2x100xi32, #tpu.memory_space<vmem>>
      %dma_start3A_66 = arith.constant 0 : i32
      %dma_start3A_67 = arith.constant 0 : i32
      %dma_start3A_68 = tpu.memref_slice %arg2[%add3A_4, %dma_start3A_66, %dma_start3A_67] : memref<4096x2x100xi32, #tpu.memory_space<hbm>> -> memref<1x2x100xi32, #tpu.memory_space<hbm>>
      %dma_start3A_69 = arith.constant 0 : i32
      %dma_start3A_70 = arith.constant 0 : i32
      %dma_start3A_71 = arith.constant 0 : i32
      %dma_start3A_72 = tpu.memref_slice %arg5[%dma_start3A_69, %dma_start3A_70, %dma_start3A_71] : memref<2x2x100xi32, #tpu.memory_space<vmem>> -> memref<1x2x100xi32, #tpu.memory_space<vmem>>
      %dma_start3A_73 = arith.constant 0 : i32
      %dma_start3A_74 = arith.constant 0 : i32
      %dma_start3A_75 = tpu.memref_slice %arg2[%add3A_4, %dma_start3A_73, %dma_start3A_74] : memref<4096x2x100xi32, #tpu.memory_space<hbm>> -> memref<1x2x100xi32, #tpu.memory_space<hbm>>
      tpu.enqueue_dma source(%dma_start3A_75 : memref<1x2x100xi32, #tpu.memory_space<hbm>>) target(%dma_start3A_72 : memref<1x2x100xi32, #tpu.memory_space<vmem>>) target_semaphore(%run_scoped3A : memref<!tpu.dma_semaphore, #tpu.memory_space<semaphore_mem>>)
      %dma_wait3A_76 = arith.constant 0 : i32
      %dma_wait3A_77 = arith.constant 0 : i32
      %dma_wait3A_78 = arith.constant 0 : i32
      %dma_wait3A_79 = tpu.memref_slice %arg5[%dma_wait3A_76, %dma_wait3A_77, %dma_wait3A_78] : memref<2x2x100xi32, #tpu.memory_space<vmem>> -> memref<1x2x100xi32, #tpu.memory_space<vmem>>
      %dma_wait3A_80 = arith.constant 0 : i32
      %dma_wait3A_81 = arith.constant 0 : i32
      %dma_wait3A_82 = tpu.memref_slice %arg2[%add3A_4, %dma_wait3A_80, %dma_wait3A_81] : memref<4096x2x100xi32, #tpu.memory_space<hbm>> -> memref<1x2x100xi32, #tpu.memory_space<hbm>>
      %dma_wait3A_83 = arith.constant 0 : i32
      %dma_wait3A_84 = arith.constant 0 : i32
      %dma_wait3A_85 = arith.constant 0 : i32
      %dma_wait3A_86 = tpu.memref_slice %arg5[%dma_wait3A_83, %dma_wait3A_84, %dma_wait3A_85] : memref<2x2x100xi32, #tpu.memory_space<vmem>> -> memref<1x2x100xi32, #tpu.memory_space<vmem>>
      %dma_wait3A_87 = arith.constant 0 : i32
      %dma_wait3A_88 = arith.constant 0 : i32
      %dma_wait3A_89 = tpu.memref_slice %arg2[%add3A_4, %dma_wait3A_87, %dma_wait3A_88] : memref<4096x2x100xi32, #tpu.memory_space<hbm>> -> memref<1x2x100xi32, #tpu.memory_space<hbm>>
      tpu.wait_dma2 semaphore(%run_scoped3A : memref<!tpu.dma_semaphore, #tpu.memory_space<semaphore_mem>>) src(%dma_wait3A_89 : memref<1x2x100xi32, #tpu.memory_space<hbm>>) dst(%dma_wait3A_86 : memref<1x2x100xi32, #tpu.memory_space<vmem>>)
      tpu.yield
    }) : () -> ()
    %dma_start3A = arith.constant 0 : i32
    %dma_start3A_5 = arith.constant 0 : i32
    %dma_start3A_6 = arith.constant 0 : i32
    %dma_start3A_7 = arith.constant 0 : i32
    %dma_start3A_8 = arith.constant 0 : i32
    %dma_start3A_9 = tpu.memref_slice %arg6[%dma_start3A_6, %dma_start3A_7, %dma_start3A_8] : memref<2x200x128xf32, #tpu.memory_space<vmem>> -> memref<1x100x128xf32, #tpu.memory_space<vmem>>
    %dma_start3A_10 = tpu.memref_squeeze %dma_start3A_9 : memref<1x100x128xf32, #tpu.memory_space<vmem>> -> memref<100x128xf32, #tpu.memory_space<vmem>>
    %dma_start3A_11 = arith.constant 0 : i32
    %dma_start3A_12 = tpu.memref_slice %arg5[%dma_start3A, %dma_start3A_5, %dma_start3A_11] : memref<2x2x100xi32, #tpu.memory_space<vmem>> -> memref<1x1x100xi32, #tpu.memory_space<vmem>>
    %dma_start3A_13 = tpu.memref_squeeze %dma_start3A_12 : memref<1x1x100xi32, #tpu.memory_space<vmem>> -> memref<100xi32, #tpu.memory_space<vmem>>
    %dma_start3A_14 = arith.constant 0 : i32
    %dma_start3A_15 = arith.constant 0 : i32
    %dma_start3A_16 = tpu.memref_slice %arg3[%dma_start3A_14, %dma_start3A_15] : memref<1000000x128xf32, #tpu.memory_space<hbm>> -> memref<1000000x128xf32, #tpu.memory_space<hbm>>
    tpu.enqueue_indirect_dma source(%dma_start3A_16 : memref<1000000x128xf32, #tpu.memory_space<hbm>>) target(%dma_start3A_10 : memref<100x128xf32, #tpu.memory_space<vmem>>) offsets(%dma_start3A_13 : memref<100xi32, #tpu.memory_space<vmem>>) semaphore(%arg8 : memref<!tpu.dma_semaphore, #tpu.memory_space<semaphore_mem>>)
    %dma_start3A_17 = arith.constant 0 : i32
    %dma_start3A_18 = arith.constant 1 : i32
    %dma_start3A_19 = arith.constant 0 : i32
    %dma_start3A_20 = arith.constant 100 : i32
    %dma_start3A_21 = arith.constant 0 : i32
    %dma_start3A_22 = tpu.memref_slice %arg6[%dma_start3A_19, %dma_start3A_20, %dma_start3A_21] : memref<2x200x128xf32, #tpu.memory_space<vmem>> -> memref<1x100x128xf32, #tpu.memory_space<vmem>>
    %dma_start3A_23 = tpu.memref_squeeze %dma_start3A_22 : memref<1x100x128xf32, #tpu.memory_space<vmem>> -> memref<100x128xf32, #tpu.memory_space<vmem>>
    %dma_start3A_24 = arith.constant 0 : i32
    %dma_start3A_25 = tpu.memref_slice %arg5[%dma_start3A_17, %dma_start3A_18, %dma_start3A_24] : memref<2x2x100xi32, #tpu.memory_space<vmem>> -> memref<1x1x100xi32, #tpu.memory_space<vmem>>
    %dma_start3A_26 = tpu.memref_squeeze %dma_start3A_25 : memref<1x1x100xi32, #tpu.memory_space<vmem>> -> memref<100xi32, #tpu.memory_space<vmem>>
    %dma_start3A_27 = arith.constant 0 : i32
    %dma_start3A_28 = arith.constant 0 : i32
    %dma_start3A_29 = tpu.memref_slice %arg3[%dma_start3A_27, %dma_start3A_28] : memref<1000000x128xf32, #tpu.memory_space<hbm>> -> memref<1000000x128xf32, #tpu.memory_space<hbm>>
    tpu.enqueue_indirect_dma source(%dma_start3A_29 : memref<1000000x128xf32, #tpu.memory_space<hbm>>) target(%dma_start3A_23 : memref<100x128xf32, #tpu.memory_space<vmem>>) offsets(%dma_start3A_26 : memref<100xi32, #tpu.memory_space<vmem>>) semaphore(%arg8 : memref<!tpu.dma_semaphore, #tpu.memory_space<semaphore_mem>>)
    %scan3A = arith.constant 0 : i32
    %scan3A_30 = arith.constant 0 : i32
    %scan3A_31 = arith.constant 64 : i32
    %scan3A_32 = arith.addi %scan3A_30, %scan3A_31 : i32
    %scan3A_33 = arith.constant 1 : i32
    scf.for %scan3A_62 = %scan3A_30 to %scan3A_32 step %scan3A_33  : i32 {
      %mul3A_63 = arith.constant 2 : i32
      %mul3A_64 = arith.muli %mul3A_63, %scan3A_62 : i32
      %add3A_65 = arith.addi %multiple_of3A, %mul3A_64 : i32
      %add3A_66 = arith.constant 1 : i32
      %add3A_67 = arith.addi %add3A_65, %add3A_66 : i32
      %gt3A = arith.constant 0 : i32
      %gt3A_68 = arith.cmpi sgt, %scan3A_62, %gt3A : i32
      %convert_element_type3A = arith.extui %gt3A_68 : i1 to i32
      %cond3A = arith.constant 0 : i32
      %cond3A_69 = arith.cmpi ne, %convert_element_type3A, %cond3A : i32
      scf.if %cond3A_69 {
        %dma_wait3A_195 = arith.constant 1 : i32
        %dma_wait3A_196 = arith.constant 0 : i32
        %dma_wait3A_197 = arith.constant 0 : i32
        %dma_wait3A_198 = tpu.memref_slice %arg7[%dma_wait3A_195, %dma_wait3A_196, %dma_wait3A_197] : memref<2x200x64xf32, #tpu.memory_space<vmem>> -> memref<1x200x64xf32, #tpu.memory_space<vmem>>
        %dma_wait3A_199 = arith.constant 0 : i32
        %dma_wait3A_200 = arith.constant 0 : i32
        %dma_wait3A_201 = tpu.memref_slice %arg4[%multiple_of3A, %dma_wait3A_199, %dma_wait3A_200] : memref<4096x200x64xf32, #tpu.memory_space<hbm>> -> memref<1x200x64xf32, #tpu.memory_space<hbm>>
        %dma_wait3A_202 = arith.constant 0 : i32
        %dma_wait3A_203 = arith.constant 0 : i32
        %dma_wait3A_204 = tpu.memref_slice %arg4[%multiple_of3A, %dma_wait3A_202, %dma_wait3A_203] : memref<4096x200x64xf32, #tpu.memory_space<hbm>> -> memref<1x200x64xf32, #tpu.memory_space<hbm>>
        %dma_wait3A_205 = arith.constant 1 : i32
        %dma_wait3A_206 = arith.constant 0 : i32
        %dma_wait3A_207 = arith.constant 0 : i32
        %dma_wait3A_208 = tpu.memref_slice %arg7[%dma_wait3A_205, %dma_wait3A_206, %dma_wait3A_207] : memref<2x200x64xf32, #tpu.memory_space<vmem>> -> memref<1x200x64xf32, #tpu.memory_space<vmem>>
        tpu.wait_dma2 semaphore(%arg11 : memref<!tpu.dma_semaphore, #tpu.memory_space<semaphore_mem>>) src(%dma_wait3A_208 : memref<1x200x64xf32, #tpu.memory_space<vmem>>) dst(%dma_wait3A_204 : memref<1x200x64xf32, #tpu.memory_space<hbm>>)
      } else {
      }
      %add3A_70 = arith.constant 1 : i32
      %add3A_71 = arith.addi %mul3A_64, %add3A_70 : i32
      %add3A_72 = arith.addi %multiple_of3A, %add3A_71 : i32
      "tpu.region"() ({
        %run_scoped3A = tpu.sem_alloc : memref<!tpu.dma_semaphore, #tpu.memory_space<semaphore_mem>>
        %dma_start3A_195 = arith.constant 1 : i32
        %dma_start3A_196 = arith.constant 0 : i32
        %dma_start3A_197 = arith.constant 0 : i32
        %dma_start3A_198 = tpu.memref_slice %arg5[%dma_start3A_195, %dma_start3A_196, %dma_start3A_197] : memref<2x2x100xi32, #tpu.memory_space<vmem>> -> memref<1x2x100xi32, #tpu.memory_space<vmem>>
        %dma_start3A_199 = arith.constant 0 : i32
        %dma_start3A_200 = arith.constant 0 : i32
        %dma_start3A_201 = tpu.memref_slice %arg2[%add3A_72, %dma_start3A_199, %dma_start3A_200] : memref<4096x2x100xi32, #tpu.memory_space<hbm>> -> memref<1x2x100xi32, #tpu.memory_space<hbm>>
        %dma_start3A_202 = arith.constant 1 : i32
        %dma_start3A_203 = arith.constant 0 : i32
        %dma_start3A_204 = arith.constant 0 : i32
        %dma_start3A_205 = tpu.memref_slice %arg5[%dma_start3A_202, %dma_start3A_203, %dma_start3A_204] : memref<2x2x100xi32, #tpu.memory_space<vmem>> -> memref<1x2x100xi32, #tpu.memory_space<vmem>>
        %dma_start3A_206 = arith.constant 0 : i32
        %dma_start3A_207 = arith.constant 0 : i32
        %dma_start3A_208 = tpu.memref_slice %arg2[%add3A_72, %dma_start3A_206, %dma_start3A_207] : memref<4096x2x100xi32, #tpu.memory_space<hbm>> -> memref<1x2x100xi32, #tpu.memory_space<hbm>>
        tpu.enqueue_dma source(%dma_start3A_208 : memref<1x2x100xi32, #tpu.memory_space<hbm>>) target(%dma_start3A_205 : memref<1x2x100xi32, #tpu.memory_space<vmem>>) target_semaphore(%run_scoped3A : memref<!tpu.dma_semaphore, #tpu.memory_space<semaphore_mem>>)
        %dma_wait3A_209 = arith.constant 1 : i32
        %dma_wait3A_210 = arith.constant 0 : i32
        %dma_wait3A_211 = arith.constant 0 : i32
        %dma_wait3A_212 = tpu.memref_slice %arg5[%dma_wait3A_209, %dma_wait3A_210, %dma_wait3A_211] : memref<2x2x100xi32, #tpu.memory_space<vmem>> -> memref<1x2x100xi32, #tpu.memory_space<vmem>>
        %dma_wait3A_213 = arith.constant 0 : i32
        %dma_wait3A_214 = arith.constant 0 : i32
        %dma_wait3A_215 = tpu.memref_slice %arg2[%add3A_72, %dma_wait3A_213, %dma_wait3A_214] : memref<4096x2x100xi32, #tpu.memory_space<hbm>> -> memref<1x2x100xi32, #tpu.memory_space<hbm>>
        %dma_wait3A_216 = arith.constant 1 : i32
        %dma_wait3A_217 = arith.constant 0 : i32
        %dma_wait3A_218 = arith.constant 0 : i32
        %dma_wait3A_219 = tpu.memref_slice %arg5[%dma_wait3A_216, %dma_wait3A_217, %dma_wait3A_218] : memref<2x2x100xi32, #tpu.memory_space<vmem>> -> memref<1x2x100xi32, #tpu.memory_space<vmem>>
        %dma_wait3A_220 = arith.constant 0 : i32
        %dma_wait3A_221 = arith.constant 0 : i32
        %dma_wait3A_222 = tpu.memref_slice %arg2[%add3A_72, %dma_wait3A_220, %dma_wait3A_221] : memref<4096x2x100xi32, #tpu.memory_space<hbm>> -> memref<1x2x100xi32, #tpu.memory_space<hbm>>
        tpu.wait_dma2 semaphore(%run_scoped3A : memref<!tpu.dma_semaphore, #tpu.memory_space<semaphore_mem>>) src(%dma_wait3A_222 : memref<1x2x100xi32, #tpu.memory_space<hbm>>) dst(%dma_wait3A_219 : memref<1x2x100xi32, #tpu.memory_space<vmem>>)
        tpu.yield
      }) : () -> ()
      %dma_start3A_73 = arith.constant 1 : i32
      %dma_start3A_74 = arith.constant 0 : i32
      %dma_start3A_75 = arith.constant 1 : i32
      %dma_start3A_76 = arith.constant 0 : i32
      %dma_start3A_77 = arith.constant 0 : i32
      %dma_start3A_78 = tpu.memref_slice %arg6[%dma_start3A_75, %dma_start3A_76, %dma_start3A_77] : memref<2x200x128xf32, #tpu.memory_space<vmem>> -> memref<1x100x128xf32, #tpu.memory_space<vmem>>
      %dma_start3A_79 = tpu.memref_squeeze %dma_start3A_78 : memref<1x100x128xf32, #tpu.memory_space<vmem>> -> memref<100x128xf32, #tpu.memory_space<vmem>>
      %dma_start3A_80 = arith.constant 0 : i32
      %dma_start3A_81 = tpu.memref_slice %arg5[%dma_start3A_73, %dma_start3A_74, %dma_start3A_80] : memref<2x2x100xi32, #tpu.memory_space<vmem>> -> memref<1x1x100xi32, #tpu.memory_space<vmem>>
      %dma_start3A_82 = tpu.memref_squeeze %dma_start3A_81 : memref<1x1x100xi32, #tpu.memory_space<vmem>> -> memref<100xi32, #tpu.memory_space<vmem>>
      %dma_start3A_83 = arith.constant 0 : i32
      %dma_start3A_84 = arith.constant 0 : i32
      %dma_start3A_85 = tpu.memref_slice %arg3[%dma_start3A_83, %dma_start3A_84] : memref<1000000x128xf32, #tpu.memory_space<hbm>> -> memref<1000000x128xf32, #tpu.memory_space<hbm>>
      tpu.enqueue_indirect_dma source(%dma_start3A_85 : memref<1000000x128xf32, #tpu.memory_space<hbm>>) target(%dma_start3A_79 : memref<100x128xf32, #tpu.memory_space<vmem>>) offsets(%dma_start3A_82 : memref<100xi32, #tpu.memory_space<vmem>>) semaphore(%arg9 : memref<!tpu.dma_semaphore, #tpu.memory_space<semaphore_mem>>)
      %dma_start3A_86 = arith.constant 1 : i32
      %dma_start3A_87 = arith.constant 1 : i32
      %dma_start3A_88 = arith.constant 1 : i32
      %dma_start3A_89 = arith.constant 100 : i32
      %dma_start3A_90 = arith.constant 0 : i32
      %dma_start3A_91 = tpu.memref_slice %arg6[%dma_start3A_88, %dma_start3A_89, %dma_start3A_90] : memref<2x200x128xf32, #tpu.memory_space<vmem>> -> memref<1x100x128xf32, #tpu.memory_space<vmem>>
      %dma_start3A_92 = tpu.memref_squeeze %dma_start3A_91 : memref<1x100x128xf32, #tpu.memory_space<vmem>> -> memref<100x128xf32, #tpu.memory_space<vmem>>
      %dma_start3A_93 = arith.constant 0 : i32
      %dma_start3A_94 = tpu.memref_slice %arg5[%dma_start3A_86, %dma_start3A_87, %dma_start3A_93] : memref<2x2x100xi32, #tpu.memory_space<vmem>> -> memref<1x1x100xi32, #tpu.memory_space<vmem>>
      %dma_start3A_95 = tpu.memref_squeeze %dma_start3A_94 : memref<1x1x100xi32, #tpu.memory_space<vmem>> -> memref<100xi32, #tpu.memory_space<vmem>>
      %dma_start3A_96 = arith.constant 0 : i32
      %dma_start3A_97 = arith.constant 0 : i32
      %dma_start3A_98 = tpu.memref_slice %arg3[%dma_start3A_96, %dma_start3A_97] : memref<1000000x128xf32, #tpu.memory_space<hbm>> -> memref<1000000x128xf32, #tpu.memory_space<hbm>>
      tpu.enqueue_indirect_dma source(%dma_start3A_98 : memref<1000000x128xf32, #tpu.memory_space<hbm>>) target(%dma_start3A_92 : memref<100x128xf32, #tpu.memory_space<vmem>>) offsets(%dma_start3A_95 : memref<100xi32, #tpu.memory_space<vmem>>) semaphore(%arg9 : memref<!tpu.dma_semaphore, #tpu.memory_space<semaphore_mem>>)
      %dma_wait3A_99 = arith.constant 0 : i32
      %dma_wait3A_100 = arith.constant 0 : i32
      %dma_wait3A_101 = arith.constant 0 : i32
      %dma_wait3A_102 = arith.constant 0 : i32
      %dma_wait3A_103 = arith.constant 0 : i32
      %dma_wait3A_104 = tpu.memref_slice %arg6[%dma_wait3A_101, %dma_wait3A_102, %dma_wait3A_103] : memref<2x200x128xf32, #tpu.memory_space<vmem>> -> memref<1x100x128xf32, #tpu.memory_space<vmem>>
      %dma_wait3A_105 = tpu.memref_squeeze %dma_wait3A_104 : memref<1x100x128xf32, #tpu.memory_space<vmem>> -> memref<100x128xf32, #tpu.memory_space<vmem>>
      %dma_wait3A_106 = arith.constant 0 : i32
      %dma_wait3A_107 = tpu.memref_slice %arg5[%dma_wait3A_99, %dma_wait3A_100, %dma_wait3A_106] : memref<2x2x100xi32, #tpu.memory_space<vmem>> -> memref<1x1x100xi32, #tpu.memory_space<vmem>>
      %dma_wait3A_108 = tpu.memref_squeeze %dma_wait3A_107 : memref<1x1x100xi32, #tpu.memory_space<vmem>> -> memref<100xi32, #tpu.memory_space<vmem>>
      %dma_wait3A_109 = arith.constant 0 : i32
      %dma_wait3A_110 = arith.constant 0 : i32
      %dma_wait3A_111 = tpu.memref_slice %arg3[%dma_wait3A_109, %dma_wait3A_110] : memref<1000000x128xf32, #tpu.memory_space<hbm>> -> memref<1000000x128xf32, #tpu.memory_space<hbm>>
      tpu.wait_indirect_dma semaphore(%arg8 : memref<!tpu.dma_semaphore, #tpu.memory_space<semaphore_mem>>) src(%dma_wait3A_111 : memref<1000000x128xf32, #tpu.memory_space<hbm>>) dst(%dma_wait3A_105 : memref<100x128xf32, #tpu.memory_space<vmem>>)
      %dma_wait3A_112 = arith.constant 0 : i32
      %dma_wait3A_113 = arith.constant 1 : i32
      %dma_wait3A_114 = arith.constant 0 : i32
      %dma_wait3A_115 = arith.constant 100 : i32
      %dma_wait3A_116 = arith.constant 0 : i32
      %dma_wait3A_117 = tpu.memref_slice %arg6[%dma_wait3A_114, %dma_wait3A_115, %dma_wait3A_116] : memref<2x200x128xf32, #tpu.memory_space<vmem>> -> memref<1x100x128xf32, #tpu.memory_space<vmem>>
      %dma_wait3A_118 = tpu.memref_squeeze %dma_wait3A_117 : memref<1x100x128xf32, #tpu.memory_space<vmem>> -> memref<100x128xf32, #tpu.memory_space<vmem>>
      %dma_wait3A_119 = arith.constant 0 : i32
      %dma_wait3A_120 = tpu.memref_slice %arg5[%dma_wait3A_112, %dma_wait3A_113, %dma_wait3A_119] : memref<2x2x100xi32, #tpu.memory_space<vmem>> -> memref<1x1x100xi32, #tpu.memory_space<vmem>>
      %dma_wait3A_121 = tpu.memref_squeeze %dma_wait3A_120 : memref<1x1x100xi32, #tpu.memory_space<vmem>> -> memref<100xi32, #tpu.memory_space<vmem>>
      %dma_wait3A_122 = arith.constant 0 : i32
      %dma_wait3A_123 = arith.constant 0 : i32
      %dma_wait3A_124 = tpu.memref_slice %arg3[%dma_wait3A_122, %dma_wait3A_123] : memref<1000000x128xf32, #tpu.memory_space<hbm>> -> memref<1000000x128xf32, #tpu.memory_space<hbm>>
      tpu.wait_indirect_dma semaphore(%arg8 : memref<!tpu.dma_semaphore, #tpu.memory_space<semaphore_mem>>) src(%dma_wait3A_124 : memref<1000000x128xf32, #tpu.memory_space<hbm>>) dst(%dma_wait3A_118 : memref<100x128xf32, #tpu.memory_space<vmem>>)
      %scan3A_125 = arith.constant 0 : i32
      %scan3A_126 = arith.constant 0 : i32
      %scan3A_127 = arith.constant 200 : i32
      %scan3A_128 = arith.addi %scan3A_126, %scan3A_127 : i32
      %scan3A_129 = arith.constant 8 : i32
      scf.for %scan3A_195 = %scan3A_126 to %scan3A_128 step %scan3A_129  : i32 {
        %get3A = arith.constant 0 : i32
        %get3A_196 = arith.index_cast %get3A : i32 to index
        %get3A_197 = arith.index_cast %scan3A_195 : i32 to index
        %get3A_198 = arith.constant 0 : index
        %get3A_199 = tpu.vector_load %arg6[%get3A_196, %get3A_197, %get3A_198] {strides = array<i32>} : memref<2x200x128xf32, #tpu.memory_space<vmem>>, vector<1x1x16xf32>,
        %get3A_200 = vector.shape_cast %get3A_199 : vector<1x1x16xf32> to vector<16xf32>
        %mul3A_201 = arith.constant 8.000000e+00 : f32
        %mul3A_202 = vector.broadcast %mul3A_201 : f32 to vector<16xf32>
        %mul3A_203 = arith.mulf %get3A_200, %mul3A_202 : vector<16xf32>
        %swap3A = arith.constant 0 : i32
        %swap3A_204 = arith.index_cast %swap3A : i32 to index
        %swap3A_205 = arith.index_cast %scan3A_195 : i32 to index
        %swap3A_206 = arith.constant 0 : index
        %swap3A_207 = tpu.vector_load %arg7[%swap3A_204, %swap3A_205, %swap3A_206] {strides = array<i32>} : memref<2x200x64xf32, #tpu.memory_space<vmem>>, vector<1x1x16xf32>,
        %swap3A_208 = vector.shape_cast %swap3A_207 : vector<1x1x16xf32> to vector<16xf32>
        %swap3A_209 = vector.shape_cast %mul3A_203 : vector<16xf32> to vector<1x1x16xf32>
        tpu.vector_store %arg7[%swap3A_204, %swap3A_205, %swap3A_206], %swap3A_209 {strides = array<i32>} : memref<2x200x64xf32, #tpu.memory_space<vmem>>, vector<1x1x16xf32>,
        %get3A_210 = arith.constant 0 : i32
        %get3A_211 = arith.index_cast %get3A_210 : i32 to index
        %get3A_212 = arith.index_cast %scan3A_195 : i32 to index
        %get3A_213 = arith.constant 16 : index
        %get3A_214 = tpu.vector_load %arg6[%get3A_211, %get3A_212, %get3A_213] {strides = array<i32>} : memref<2x200x128xf32, #tpu.memory_space<vmem>>, vector<1x1x16xf32>,
        %get3A_215 = vector.shape_cast %get3A_214 : vector<1x1x16xf32> to vector<16xf32>
        %mul3A_216 = arith.constant 8.000000e+00 : f32
        %mul3A_217 = vector.broadcast %mul3A_216 : f32 to vector<16xf32>
        %mul3A_218 = arith.mulf %get3A_215, %mul3A_217 : vector<16xf32>
        %swap3A_219 = arith.constant 0 : i32
        %swap3A_220 = arith.index_cast %swap3A_219 : i32 to index
        %swap3A_221 = arith.index_cast %scan3A_195 : i32 to index
        %swap3A_222 = arith.constant 16 : index
        %swap3A_223 = tpu.vector_load %arg7[%swap3A_220, %swap3A_221, %swap3A_222] {strides = array<i32>} : memref<2x200x64xf32, #tpu.memory_space<vmem>>, vector<1x1x16xf32>,
        %swap3A_224 = vector.shape_cast %swap3A_223 : vector<1x1x16xf32> to vector<16xf32>
        %swap3A_225 = vector.shape_cast %mul3A_218 : vector<16xf32> to vector<1x1x16xf32>
        tpu.vector_store %arg7[%swap3A_220, %swap3A_221, %swap3A_222], %swap3A_225 {strides = array<i32>} : memref<2x200x64xf32, #tpu.memory_space<vmem>>, vector<1x1x16xf32>,
        %get3A_226 = arith.constant 0 : i32
        %get3A_227 = arith.index_cast %get3A_226 : i32 to index
        %get3A_228 = arith.index_cast %scan3A_195 : i32 to index
        %get3A_229 = arith.constant 32 : index
        %get3A_230 = tpu.vector_load %arg6[%get3A_227, %get3A_228, %get3A_229] {strides = array<i32>} : memref<2x200x128xf32, #tpu.memory_space<vmem>>, vector<1x1x16xf32>,
        %get3A_231 = vector.shape_cast %get3A_230 : vector<1x1x16xf32> to vector<16xf32>
        %mul3A_232 = arith.constant 8.000000e+00 : f32
        %mul3A_233 = vector.broadcast %mul3A_232 : f32 to vector<16xf32>
        %mul3A_234 = arith.mulf %get3A_231, %mul3A_233 : vector<16xf32>
        %swap3A_235 = arith.constant 0 : i32
        %swap3A_236 = arith.index_cast %swap3A_235 : i32 to index
        %swap3A_237 = arith.index_cast %scan3A_195 : i32 to index
        %swap3A_238 = arith.constant 32 : index
        %swap3A_239 = tpu.vector_load %arg7[%swap3A_236, %swap3A_237, %swap3A_238] {strides = array<i32>} : memref<2x200x64xf32, #tpu.memory_space<vmem>>, vector<1x1x16xf32>,
        %swap3A_240 = vector.shape_cast %swap3A_239 : vector<1x1x16xf32> to vector<16xf32>
        %swap3A_241 = vector.shape_cast %mul3A_234 : vector<16xf32> to vector<1x1x16xf32>
        tpu.vector_store %arg7[%swap3A_236, %swap3A_237, %swap3A_238], %swap3A_241 {strides = array<i32>} : memref<2x200x64xf32, #tpu.memory_space<vmem>>, vector<1x1x16xf32>,
        %get3A_242 = arith.constant 0 : i32
        %get3A_243 = arith.index_cast %get3A_242 : i32 to index
        %get3A_244 = arith.index_cast %scan3A_195 : i32 to index
        %get3A_245 = arith.constant 48 : index
        %get3A_246 = tpu.vector_load %arg6[%get3A_243, %get3A_244, %get3A_245] {strides = array<i32>} : memref<2x200x128xf32, #tpu.memory_space<vmem>>, vector<1x1x16xf32>,
        %get3A_247 = vector.shape_cast %get3A_246 : vector<1x1x16xf32> to vector<16xf32>
        %mul3A_248 = arith.constant 8.000000e+00 : f32
        %mul3A_249 = vector.broadcast %mul3A_248 : f32 to vector<16xf32>
        %mul3A_250 = arith.mulf %get3A_247, %mul3A_249 : vector<16xf32>
        %swap3A_251 = arith.constant 0 : i32
        %swap3A_252 = arith.index_cast %swap3A_251 : i32 to index
        %swap3A_253 = arith.index_cast %scan3A_195 : i32 to index
        %swap3A_254 = arith.constant 48 : index
        %swap3A_255 = tpu.vector_load %arg7[%swap3A_252, %swap3A_253, %swap3A_254] {strides = array<i32>} : memref<2x200x64xf32, #tpu.memory_space<vmem>>, vector<1x1x16xf32>,
        %swap3A_256 = vector.shape_cast %swap3A_255 : vector<1x1x16xf32> to vector<16xf32>
        %swap3A_257 = vector.shape_cast %mul3A_250 : vector<16xf32> to vector<1x1x16xf32>
        tpu.vector_store %arg7[%swap3A_252, %swap3A_253, %swap3A_254], %swap3A_257 {strides = array<i32>} : memref<2x200x64xf32, #tpu.memory_space<vmem>>, vector<1x1x16xf32>,
        %scan3A_258 = arith.constant 1 : i32
        %scan3A_259 = arith.addi %scan3A_195, %scan3A_258 : i32
        %get3A_260 = arith.constant 0 : i32
        %get3A_261 = arith.index_cast %get3A_260 : i32 to index
        %get3A_262 = arith.index_cast %scan3A_259 : i32 to index
        %get3A_263 = arith.constant 0 : index
        %get3A_264 = tpu.vector_load %arg6[%get3A_261, %get3A_262, %get3A_263] {strides = array<i32>} : memref<2x200x128xf32, #tpu.memory_space<vmem>>, vector<1x1x16xf32>,
        %get3A_265 = vector.shape_cast %get3A_264 : vector<1x1x16xf32> to vector<16xf32>
        %mul3A_266 = arith.constant 8.000000e+00 : f32
        %mul3A_267 = vector.broadcast %mul3A_266 : f32 to vector<16xf32>
        %mul3A_268 = arith.mulf %get3A_265, %mul3A_267 : vector<16xf32>
        %swap3A_269 = arith.constant 0 : i32
        %swap3A_270 = arith.index_cast %swap3A_269 : i32 to index
        %swap3A_271 = arith.index_cast %scan3A_259 : i32 to index
        %swap3A_272 = arith.constant 0 : index
        %swap3A_273 = tpu.vector_load %arg7[%swap3A_270, %swap3A_271, %swap3A_272] {strides = array<i32>} : memref<2x200x64xf32, #tpu.memory_space<vmem>>, vector<1x1x16xf32>,
        %swap3A_274 = vector.shape_cast %swap3A_273 : vector<1x1x16xf32> to vector<16xf32>
        %swap3A_275 = vector.shape_cast %mul3A_268 : vector<16xf32> to vector<1x1x16xf32>
        tpu.vector_store %arg7[%swap3A_270, %swap3A_271, %swap3A_272], %swap3A_275 {strides = array<i32>} : memref<2x200x64xf32, #tpu.memory_space<vmem>>, vector<1x1x16xf32>,
        %get3A_276 = arith.constant 0 : i32
        %get3A_277 = arith.index_cast %get3A_276 : i32 to index
        %get3A_278 = arith.index_cast %scan3A_259 : i32 to index
        %get3A_279 = arith.constant 16 : index
        %get3A_280 = tpu.vector_load %arg6[%get3A_277, %get3A_278, %get3A_279] {strides = array<i32>} : memref<2x200x128xf32, #tpu.memory_space<vmem>>, vector<1x1x16xf32>,
        %get3A_281 = vector.shape_cast %get3A_280 : vector<1x1x16xf32> to vector<16xf32>
        %mul3A_282 = arith.constant 8.000000e+00 : f32
        %mul3A_283 = vector.broadcast %mul3A_282 : f32 to vector<16xf32>
        %mul3A_284 = arith.mulf %get3A_281, %mul3A_283 : vector<16xf32>
        %swap3A_285 = arith.constant 0 : i32
        %swap3A_286 = arith.index_cast %swap3A_285 : i32 to index
        %swap3A_287 = arith.index_cast %scan3A_259 : i32 to index
        %swap3A_288 = arith.constant 16 : index
        %swap3A_289 = tpu.vector_load %arg7[%swap3A_286, %swap3A_287, %swap3A_288] {strides = array<i32>} : memref<2x200x64xf32, #tpu.memory_space<vmem>>, vector<1x1x16xf32>,
        %swap3A_290 = vector.shape_cast %swap3A_289 : vector<1x1x16xf32> to vector<16xf32>
        %swap3A_291 = vector.shape_cast %mul3A_284 : vector<16xf32> to vector<1x1x16xf32>
        tpu.vector_store %arg7[%swap3A_286, %swap3A_287, %swap3A_288], %swap3A_291 {strides = array<i32>} : memref<2x200x64xf32, #tpu.memory_space<vmem>>, vector<1x1x16xf32>,
        %get3A_292 = arith.constant 0 : i32
        %get3A_293 = arith.index_cast %get3A_292 : i32 to index
        %get3A_294 = arith.index_cast %scan3A_259 : i32 to index
        %get3A_295 = arith.constant 32 : index
        %get3A_296 = tpu.vector_load %arg6[%get3A_293, %get3A_294, %get3A_295] {strides = array<i32>} : memref<2x200x128xf32, #tpu.memory_space<vmem>>, vector<1x1x16xf32>,
        %get3A_297 = vector.shape_cast %get3A_296 : vector<1x1x16xf32> to vector<16xf32>
        %mul3A_298 = arith.constant 8.000000e+00 : f32
        %mul3A_299 = vector.broadcast %mul3A_298 : f32 to vector<16xf32>
        %mul3A_300 = arith.mulf %get3A_297, %mul3A_299 : vector<16xf32>
        %swap3A_301 = arith.constant 0 : i32
        %swap3A_302 = arith.index_cast %swap3A_301 : i32 to index
        %swap3A_303 = arith.index_cast %scan3A_259 : i32 to index
        %swap3A_304 = arith.constant 32 : index
        %swap3A_305 = tpu.vector_load %arg7[%swap3A_302, %swap3A_303, %swap3A_304] {strides = array<i32>} : memref<2x200x64xf32, #tpu.memory_space<vmem>>, vector<1x1x16xf32>,
        %swap3A_306 = vector.shape_cast %swap3A_305 : vector<1x1x16xf32> to vector<16xf32>
        %swap3A_307 = vector.shape_cast %mul3A_300 : vector<16xf32> to vector<1x1x16xf32>
        tpu.vector_store %arg7[%swap3A_302, %swap3A_303, %swap3A_304], %swap3A_307 {strides = array<i32>} : memref<2x200x64xf32, #tpu.memory_space<vmem>>, vector<1x1x16xf32>,
        %get3A_308 = arith.constant 0 : i32
        %get3A_309 = arith.index_cast %get3A_308 : i32 to index
        %get3A_310 = arith.index_cast %scan3A_259 : i32 to index
        %get3A_311 = arith.constant 48 : index
        %get3A_312 = tpu.vector_load %arg6[%get3A_309, %get3A_310, %get3A_311] {strides = array<i32>} : memref<2x200x128xf32, #tpu.memory_space<vmem>>, vector<1x1x16xf32>,
        %get3A_313 = vector.shape_cast %get3A_312 : vector<1x1x16xf32> to vector<16xf32>
        %mul3A_314 = arith.constant 8.000000e+00 : f32
        %mul3A_315 = vector.broadcast %mul3A_314 : f32 to vector<16xf32>
        %mul3A_316 = arith.mulf %get3A_313, %mul3A_315 : vector<16xf32>
        %swap3A_317 = arith.constant 0 : i32
        %swap3A_318 = arith.index_cast %swap3A_317 : i32 to index
        %swap3A_319 = arith.index_cast %scan3A_259 : i32 to index
        %swap3A_320 = arith.constant 48 : index
        %swap3A_321 = tpu.vector_load %arg7[%swap3A_318, %swap3A_319, %swap3A_320] {strides = array<i32>} : memref<2x200x64xf32, #tpu.memory_space<vmem>>, vector<1x1x16xf32>,
        %swap3A_322 = vector.shape_cast %swap3A_321 : vector<1x1x16xf32> to vector<16xf32>
        %swap3A_323 = vector.shape_cast %mul3A_316 : vector<16xf32> to vector<1x1x16xf32>
        tpu.vector_store %arg7[%swap3A_318, %swap3A_319, %swap3A_320], %swap3A_323 {strides = array<i32>} : memref<2x200x64xf32, #tpu.memory_space<vmem>>, vector<1x1x16xf32>,
        %scan3A_324 = arith.constant 2 : i32
        %scan3A_325 = arith.addi %scan3A_195, %scan3A_324 : i32
        %get3A_326 = arith.constant 0 : i32
        %get3A_327 = arith.index_cast %get3A_326 : i32 to index
        %get3A_328 = arith.index_cast %scan3A_325 : i32 to index
        %get3A_329 = arith.constant 0 : index
        %get3A_330 = tpu.vector_load %arg6[%get3A_327, %get3A_328, %get3A_329] {strides = array<i32>} : memref<2x200x128xf32, #tpu.memory_space<vmem>>, vector<1x1x16xf32>,
        %get3A_331 = vector.shape_cast %get3A_330 : vector<1x1x16xf32> to vector<16xf32>
        %mul3A_332 = arith.constant 8.000000e+00 : f32
        %mul3A_333 = vector.broadcast %mul3A_332 : f32 to vector<16xf32>
        %mul3A_334 = arith.mulf %get3A_331, %mul3A_333 : vector<16xf32>
        %swap3A_335 = arith.constant 0 : i32
        %swap3A_336 = arith.index_cast %swap3A_335 : i32 to index
        %swap3A_337 = arith.index_cast %scan3A_325 : i32 to index
        %swap3A_338 = arith.constant 0 : index
        %swap3A_339 = tpu.vector_load %arg7[%swap3A_336, %swap3A_337, %swap3A_338] {strides = array<i32>} : memref<2x200x64xf32, #tpu.memory_space<vmem>>, vector<1x1x16xf32>,
        %swap3A_340 = vector.shape_cast %swap3A_339 : vector<1x1x16xf32> to vector<16xf32>
        %swap3A_341 = vector.shape_cast %mul3A_334 : vector<16xf32> to vector<1x1x16xf32>
        tpu.vector_store %arg7[%swap3A_336, %swap3A_337, %swap3A_338], %swap3A_341 {strides = array<i32>} : memref<2x200x64xf32, #tpu.memory_space<vmem>>, vector<1x1x16xf32>,
        %get3A_342 = arith.constant 0 : i32
        %get3A_343 = arith.index_cast %get3A_342 : i32 to index
        %get3A_344 = arith.index_cast %scan3A_325 : i32 to index
        %get3A_345 = arith.constant 16 : index
        %get3A_346 = tpu.vector_load %arg6[%get3A_343, %get3A_344, %get3A_345] {strides = array<i32>} : memref<2x200x128xf32, #tpu.memory_space<vmem>>, vector<1x1x16xf32>,
        %get3A_347 = vector.shape_cast %get3A_346 : vector<1x1x16xf32> to vector<16xf32>
        %mul3A_348 = arith.constant 8.000000e+00 : f32
        %mul3A_349 = vector.broadcast %mul3A_348 : f32 to vector<16xf32>
        %mul3A_350 = arith.mulf %get3A_347, %mul3A_349 : vector<16xf32>
        %swap3A_351 = arith.constant 0 : i32
        %swap3A_352 = arith.index_cast %swap3A_351 : i32 to index
        %swap3A_353 = arith.index_cast %scan3A_325 : i32 to index
        %swap3A_354 = arith.constant 16 : index
        %swap3A_355 = tpu.vector_load %arg7[%swap3A_352, %swap3A_353, %swap3A_354] {strides = array<i32>} : memref<2x200x64xf32, #tpu.memory_space<vmem>>, vector<1x1x16xf32>,
        %swap3A_356 = vector.shape_cast %swap3A_355 : vector<1x1x16xf32> to vector<16xf32>
        %swap3A_357 = vector.shape_cast %mul3A_350 : vector<16xf32> to vector<1x1x16xf32>
        tpu.vector_store %arg7[%swap3A_352, %swap3A_353, %swap3A_354], %swap3A_357 {strides = array<i32>} : memref<2x200x64xf32, #tpu.memory_space<vmem>>, vector<1x1x16xf32>,
        %get3A_358 = arith.constant 0 : i32
        %get3A_359 = arith.index_cast %get3A_358 : i32 to index
        %get3A_360 = arith.index_cast %scan3A_325 : i32 to index
        %get3A_361 = arith.constant 32 : index
        %get3A_362 = tpu.vector_load %arg6[%get3A_359, %get3A_360, %get3A_361] {strides = array<i32>} : memref<2x200x128xf32, #tpu.memory_space<vmem>>, vector<1x1x16xf32>,
        %get3A_363 = vector.shape_cast %get3A_362 : vector<1x1x16xf32> to vector<16xf32>
        %mul3A_364 = arith.constant 8.000000e+00 : f32
        %mul3A_365 = vector.broadcast %mul3A_364 : f32 to vector<16xf32>
        %mul3A_366 = arith.mulf %get3A_363, %mul3A_365 : vector<16xf32>
        %swap3A_367 = arith.constant 0 : i32
        %swap3A_368 = arith.index_cast %swap3A_367 : i32 to index
        %swap3A_369 = arith.index_cast %scan3A_325 : i32 to index
        %swap3A_370 = arith.constant 32 : index
        %swap3A_371 = tpu.vector_load %arg7[%swap3A_368, %swap3A_369, %swap3A_370] {strides = array<i32>} : memref<2x200x64xf32, #tpu.memory_space<vmem>>, vector<1x1x16xf32>,
        %swap3A_372 = vector.shape_cast %swap3A_371 : vector<1x1x16xf32> to vector<16xf32>
        %swap3A_373 = vector.shape_cast %mul3A_366 : vector<16xf32> to vector<1x1x16xf32>
        tpu.vector_store %arg7[%swap3A_368, %swap3A_369, %swap3A_370], %swap3A_373 {strides = array<i32>} : memref<2x200x64xf32, #tpu.memory_space<vmem>>, vector<1x1x16xf32>,
        %get3A_374 = arith.constant 0 : i32
        %get3A_375 = arith.index_cast %get3A_374 : i32 to index
        %get3A_376 = arith.index_cast %scan3A_325 : i32 to index
        %get3A_377 = arith.constant 48 : index
        %get3A_378 = tpu.vector_load %arg6[%get3A_375, %get3A_376, %get3A_377] {strides = array<i32>} : memref<2x200x128xf32, #tpu.memory_space<vmem>>, vector<1x1x16xf32>,
        %get3A_379 = vector.shape_cast %get3A_378 : vector<1x1x16xf32> to vector<16xf32>
        %mul3A_380 = arith.constant 8.000000e+00 : f32
        %mul3A_381 = vector.broadcast %mul3A_380 : f32 to vector<16xf32>
        %mul3A_382 = arith.mulf %get3A_379, %mul3A_381 : vector<16xf32>
        %swap3A_383 = arith.constant 0 : i32
        %swap3A_384 = arith.index_cast %swap3A_383 : i32 to index
        %swap3A_385 = arith.index_cast %scan3A_325 : i32 to index
        %swap3A_386 = arith.constant 48 : index
        %swap3A_387 = tpu.vector_load %arg7[%swap3A_384, %swap3A_385, %swap3A_386] {strides = array<i32>} : memref<2x200x64xf32, #tpu.memory_space<vmem>>, vector<1x1x16xf32>,
        %swap3A_388 = vector.shape_cast %swap3A_387 : vector<1x1x16xf32> to vector<16xf32>
        %swap3A_389 = vector.shape_cast %mul3A_382 : vector<16xf32> to vector<1x1x16xf32>
        tpu.vector_store %arg7[%swap3A_384, %swap3A_385, %swap3A_386], %swap3A_389 {strides = array<i32>} : memref<2x200x64xf32, #tpu.memory_space<vmem>>, vector<1x1x16xf32>,
        %scan3A_390 = arith.constant 3 : i32
        %scan3A_391 = arith.addi %scan3A_195, %scan3A_390 : i32
        %get3A_392 = arith.constant 0 : i32
        %get3A_393 = arith.index_cast %get3A_392 : i32 to index
        %get3A_394 = arith.index_cast %scan3A_391 : i32 to index
        %get3A_395 = arith.constant 0 : index
        %get3A_396 = tpu.vector_load %arg6[%get3A_393, %get3A_394, %get3A_395] {strides = array<i32>} : memref<2x200x128xf32, #tpu.memory_space<vmem>>, vector<1x1x16xf32>,
        %get3A_397 = vector.shape_cast %get3A_396 : vector<1x1x16xf32> to vector<16xf32>
        %mul3A_398 = arith.constant 8.000000e+00 : f32
        %mul3A_399 = vector.broadcast %mul3A_398 : f32 to vector<16xf32>
        %mul3A_400 = arith.mulf %get3A_397, %mul3A_399 : vector<16xf32>
        %swap3A_401 = arith.constant 0 : i32
        %swap3A_402 = arith.index_cast %swap3A_401 : i32 to index
        %swap3A_403 = arith.index_cast %scan3A_391 : i32 to index
        %swap3A_404 = arith.constant 0 : index
        %swap3A_405 = tpu.vector_load %arg7[%swap3A_402, %swap3A_403, %swap3A_404] {strides = array<i32>} : memref<2x200x64xf32, #tpu.memory_space<vmem>>, vector<1x1x16xf32>,
        %swap3A_406 = vector.shape_cast %swap3A_405 : vector<1x1x16xf32> to vector<16xf32>
        %swap3A_407 = vector.shape_cast %mul3A_400 : vector<16xf32> to vector<1x1x16xf32>
        tpu.vector_store %arg7[%swap3A_402, %swap3A_403, %swap3A_404], %swap3A_407 {strides = array<i32>} : memref<2x200x64xf32, #tpu.memory_space<vmem>>, vector<1x1x16xf32>,
        %get3A_408 = arith.constant 0 : i32
        %get3A_409 = arith.index_cast %get3A_408 : i32 to index
        %get3A_410 = arith.index_cast %scan3A_391 : i32 to index
        %get3A_411 = arith.constant 16 : index
        %get3A_412 = tpu.vector_load %arg6[%get3A_409, %get3A_410, %get3A_411] {strides = array<i32>} : memref<2x200x128xf32, #tpu.memory_space<vmem>>, vector<1x1x16xf32>,
        %get3A_413 = vector.shape_cast %get3A_412 : vector<1x1x16xf32> to vector<16xf32>
        %mul3A_414 = arith.constant 8.000000e+00 : f32
        %mul3A_415 = vector.broadcast %mul3A_414 : f32 to vector<16xf32>
        %mul3A_416 = arith.mulf %get3A_413, %mul3A_415 : vector<16xf32>
        %swap3A_417 = arith.constant 0 : i32
        %swap3A_418 = arith.index_cast %swap3A_417 : i32 to index
        %swap3A_419 = arith.index_cast %scan3A_391 : i32 to index
        %swap3A_420 = arith.constant 16 : index
        %swap3A_421 = tpu.vector_load %arg7[%swap3A_418, %swap3A_419, %swap3A_420] {strides = array<i32>} : memref<2x200x64xf32, #tpu.memory_space<vmem>>, vector<1x1x16xf32>,
        %swap3A_422 = vector.shape_cast %swap3A_421 : vector<1x1x16xf32> to vector<16xf32>
        %swap3A_423 = vector.shape_cast %mul3A_416 : vector<16xf32> to vector<1x1x16xf32>
        tpu.vector_store %arg7[%swap3A_418, %swap3A_419, %swap3A_420], %swap3A_423 {strides = array<i32>} : memref<2x200x64xf32, #tpu.memory_space<vmem>>, vector<1x1x16xf32>,
        %get3A_424 = arith.constant 0 : i32
        %get3A_425 = arith.index_cast %get3A_424 : i32 to index
        %get3A_426 = arith.index_cast %scan3A_391 : i32 to index
        %get3A_427 = arith.constant 32 : index
        %get3A_428 = tpu.vector_load %arg6[%get3A_425, %get3A_426, %get3A_427] {strides = array<i32>} : memref<2x200x128xf32, #tpu.memory_space<vmem>>, vector<1x1x16xf32>,
        %get3A_429 = vector.shape_cast %get3A_428 : vector<1x1x16xf32> to vector<16xf32>
        %mul3A_430 = arith.constant 8.000000e+00 : f32
        %mul3A_431 = vector.broadcast %mul3A_430 : f32 to vector<16xf32>
        %mul3A_432 = arith.mulf %get3A_429, %mul3A_431 : vector<16xf32>
        %swap3A_433 = arith.constant 0 : i32
        %swap3A_434 = arith.index_cast %swap3A_433 : i32 to index
        %swap3A_435 = arith.index_cast %scan3A_391 : i32 to index
        %swap3A_436 = arith.constant 32 : index
        %swap3A_437 = tpu.vector_load %arg7[%swap3A_434, %swap3A_435, %swap3A_436] {strides = array<i32>} : memref<2x200x64xf32, #tpu.memory_space<vmem>>, vector<1x1x16xf32>,
        %swap3A_438 = vector.shape_cast %swap3A_437 : vector<1x1x16xf32> to vector<16xf32>
        %swap3A_439 = vector.shape_cast %mul3A_432 : vector<16xf32> to vector<1x1x16xf32>
        tpu.vector_store %arg7[%swap3A_434, %swap3A_435, %swap3A_436], %swap3A_439 {strides = array<i32>} : memref<2x200x64xf32, #tpu.memory_space<vmem>>, vector<1x1x16xf32>,
        %get3A_440 = arith.constant 0 : i32
        %get3A_441 = arith.index_cast %get3A_440 : i32 to index
        %get3A_442 = arith.index_cast %scan3A_391 : i32 to index
        %get3A_443 = arith.constant 48 : index
        %get3A_444 = tpu.vector_load %arg6[%get3A_441, %get3A_442, %get3A_443] {strides = array<i32>} : memref<2x200x128xf32, #tpu.memory_space<vmem>>, vector<1x1x16xf32>,
        %get3A_445 = vector.shape_cast %get3A_444 : vector<1x1x16xf32> to vector<16xf32>
        %mul3A_446 = arith.constant 8.000000e+00 : f32
        %mul3A_447 = vector.broadcast %mul3A_446 : f32 to vector<16xf32>
        %mul3A_448 = arith.mulf %get3A_445, %mul3A_447 : vector<16xf32>
        %swap3A_449 = arith.constant 0 : i32
        %swap3A_450 = arith.index_cast %swap3A_449 : i32 to index
        %swap3A_451 = arith.index_cast %scan3A_391 : i32 to index
        %swap3A_452 = arith.constant 48 : index
        %swap3A_453 = tpu.vector_load %arg7[%swap3A_450, %swap3A_451, %swap3A_452] {strides = array<i32>} : memref<2x200x64xf32, #tpu.memory_space<vmem>>, vector<1x1x16xf32>,
        %swap3A_454 = vector.shape_cast %swap3A_453 : vector<1x1x16xf32> to vector<16xf32>
        %swap3A_455 = vector.shape_cast %mul3A_448 : vector<16xf32> to vector<1x1x16xf32>
        tpu.vector_store %arg7[%swap3A_450, %swap3A_451, %swap3A_452], %swap3A_455 {strides = array<i32>} : memref<2x200x64xf32, #tpu.memory_space<vmem>>, vector<1x1x16xf32>,
        %scan3A_456 = arith.constant 4 : i32
        %scan3A_457 = arith.addi %scan3A_195, %scan3A_456 : i32
        %get3A_458 = arith.constant 0 : i32
        %get3A_459 = arith.index_cast %get3A_458 : i32 to index
        %get3A_460 = arith.index_cast %scan3A_457 : i32 to index
        %get3A_461 = arith.constant 0 : index
        %get3A_462 = tpu.vector_load %arg6[%get3A_459, %get3A_460, %get3A_461] {strides = array<i32>} : memref<2x200x128xf32, #tpu.memory_space<vmem>>, vector<1x1x16xf32>,
        %get3A_463 = vector.shape_cast %get3A_462 : vector<1x1x16xf32> to vector<16xf32>
        %mul3A_464 = arith.constant 8.000000e+00 : f32
        %mul3A_465 = vector.broadcast %mul3A_464 : f32 to vector<16xf32>
        %mul3A_466 = arith.mulf %get3A_463, %mul3A_465 : vector<16xf32>
        %swap3A_467 = arith.constant 0 : i32
        %swap3A_468 = arith.index_cast %swap3A_467 : i32 to index
        %swap3A_469 = arith.index_cast %scan3A_457 : i32 to index
        %swap3A_470 = arith.constant 0 : index
        %swap3A_471 = tpu.vector_load %arg7[%swap3A_468, %swap3A_469, %swap3A_470] {strides = array<i32>} : memref<2x200x64xf32, #tpu.memory_space<vmem>>, vector<1x1x16xf32>,
        %swap3A_472 = vector.shape_cast %swap3A_471 : vector<1x1x16xf32> to vector<16xf32>
        %swap3A_473 = vector.shape_cast %mul3A_466 : vector<16xf32> to vector<1x1x16xf32>
        tpu.vector_store %arg7[%swap3A_468, %swap3A_469, %swap3A_470], %swap3A_473 {strides = array<i32>} : memref<2x200x64xf32, #tpu.memory_space<vmem>>, vector<1x1x16xf32>,
        %get3A_474 = arith.constant 0 : i32
        %get3A_475 = arith.index_cast %get3A_474 : i32 to index
        %get3A_476 = arith.index_cast %scan3A_457 : i32 to index
        %get3A_477 = arith.constant 16 : index
        %get3A_478 = tpu.vector_load %arg6[%get3A_475, %get3A_476, %get3A_477] {strides = array<i32>} : memref<2x200x128xf32, #tpu.memory_space<vmem>>, vector<1x1x16xf32>,
        %get3A_479 = vector.shape_cast %get3A_478 : vector<1x1x16xf32> to vector<16xf32>
        %mul3A_480 = arith.constant 8.000000e+00 : f32
        %mul3A_481 = vector.broadcast %mul3A_480 : f32 to vector<16xf32>
        %mul3A_482 = arith.mulf %get3A_479, %mul3A_481 : vector<16xf32>
        %swap3A_483 = arith.constant 0 : i32
        %swap3A_484 = arith.index_cast %swap3A_483 : i32 to index
        %swap3A_485 = arith.index_cast %scan3A_457 : i32 to index
        %swap3A_486 = arith.constant 16 : index
        %swap3A_487 = tpu.vector_load %arg7[%swap3A_484, %swap3A_485, %swap3A_486] {strides = array<i32>} : memref<2x200x64xf32, #tpu.memory_space<vmem>>, vector<1x1x16xf32>,
        %swap3A_488 = vector.shape_cast %swap3A_487 : vector<1x1x16xf32> to vector<16xf32>
        %swap3A_489 = vector.shape_cast %mul3A_482 : vector<16xf32> to vector<1x1x16xf32>
        tpu.vector_store %arg7[%swap3A_484, %swap3A_485, %swap3A_486], %swap3A_489 {strides = array<i32>} : memref<2x200x64xf32, #tpu.memory_space<vmem>>, vector<1x1x16xf32>,
        %get3A_490 = arith.constant 0 : i32
        %get3A_491 = arith.index_cast %get3A_490 : i32 to index
        %get3A_492 = arith.index_cast %scan3A_457 : i32 to index
        %get3A_493 = arith.constant 32 : index
        %get3A_494 = tpu.vector_load %arg6[%get3A_491, %get3A_492, %get3A_493] {strides = array<i32>} : memref<2x200x128xf32, #tpu.memory_space<vmem>>, vector<1x1x16xf32>,
        %get3A_495 = vector.shape_cast %get3A_494 : vector<1x1x16xf32> to vector<16xf32>
        %mul3A_496 = arith.constant 8.000000e+00 : f32
        %mul3A_497 = vector.broadcast %mul3A_496 : f32 to vector<16xf32>
        %mul3A_498 = arith.mulf %get3A_495, %mul3A_497 : vector<16xf32>
        %swap3A_499 = arith.constant 0 : i32
        %swap3A_500 = arith.index_cast %swap3A_499 : i32 to index
        %swap3A_501 = arith.index_cast %scan3A_457 : i32 to index
        %swap3A_502 = arith.constant 32 : index
        %swap3A_503 = tpu.vector_load %arg7[%swap3A_500, %swap3A_501, %swap3A_502] {strides = array<i32>} : memref<2x200x64xf32, #tpu.memory_space<vmem>>, vector<1x1x16xf32>,
        %swap3A_504 = vector.shape_cast %swap3A_503 : vector<1x1x16xf32> to vector<16xf32>
        %swap3A_505 = vector.shape_cast %mul3A_498 : vector<16xf32> to vector<1x1x16xf32>
        tpu.vector_store %arg7[%swap3A_500, %swap3A_501, %swap3A_502], %swap3A_505 {strides = array<i32>} : memref<2x200x64xf32, #tpu.memory_space<vmem>>, vector<1x1x16xf32>,
        %get3A_506 = arith.constant 0 : i32
        %get3A_507 = arith.index_cast %get3A_506 : i32 to index
        %get3A_508 = arith.index_cast %scan3A_457 : i32 to index
        %get3A_509 = arith.constant 48 : index
        %get3A_510 = tpu.vector_load %arg6[%get3A_507, %get3A_508, %get3A_509] {strides = array<i32>} : memref<2x200x128xf32, #tpu.memory_space<vmem>>, vector<1x1x16xf32>,
        %get3A_511 = vector.shape_cast %get3A_510 : vector<1x1x16xf32> to vector<16xf32>
        %mul3A_512 = arith.constant 8.000000e+00 : f32
        %mul3A_513 = vector.broadcast %mul3A_512 : f32 to vector<16xf32>
        %mul3A_514 = arith.mulf %get3A_511, %mul3A_513 : vector<16xf32>
        %swap3A_515 = arith.constant 0 : i32
        %swap3A_516 = arith.index_cast %swap3A_515 : i32 to index
        %swap3A_517 = arith.index_cast %scan3A_457 : i32 to index
        %swap3A_518 = arith.constant 48 : index
        %swap3A_519 = tpu.vector_load %arg7[%swap3A_516, %swap3A_517, %swap3A_518] {strides = array<i32>} : memref<2x200x64xf32, #tpu.memory_space<vmem>>, vector<1x1x16xf32>,
        %swap3A_520 = vector.shape_cast %swap3A_519 : vector<1x1x16xf32> to vector<16xf32>
        %swap3A_521 = vector.shape_cast %mul3A_514 : vector<16xf32> to vector<1x1x16xf32>
        tpu.vector_store %arg7[%swap3A_516, %swap3A_517, %swap3A_518], %swap3A_521 {strides = array<i32>} : memref<2x200x64xf32, #tpu.memory_space<vmem>>, vector<1x1x16xf32>,
        %scan3A_522 = arith.constant 5 : i32
        %scan3A_523 = arith.addi %scan3A_195, %scan3A_522 : i32
        %get3A_524 = arith.constant 0 : i32
        %get3A_525 = arith.index_cast %get3A_524 : i32 to index
        %get3A_526 = arith.index_cast %scan3A_523 : i32 to index
        %get3A_527 = arith.constant 0 : index
        %get3A_528 = tpu.vector_load %arg6[%get3A_525, %get3A_526, %get3A_527] {strides = array<i32>} : memref<2x200x128xf32, #tpu.memory_space<vmem>>, vector<1x1x16xf32>,
        %get3A_529 = vector.shape_cast %get3A_528 : vector<1x1x16xf32> to vector<16xf32>
        %mul3A_530 = arith.constant 8.000000e+00 : f32
        %mul3A_531 = vector.broadcast %mul3A_530 : f32 to vector<16xf32>
        %mul3A_532 = arith.mulf %get3A_529, %mul3A_531 : vector<16xf32>
        %swap3A_533 = arith.constant 0 : i32
        %swap3A_534 = arith.index_cast %swap3A_533 : i32 to index
        %swap3A_535 = arith.index_cast %scan3A_523 : i32 to index
        %swap3A_536 = arith.constant 0 : index
        %swap3A_537 = tpu.vector_load %arg7[%swap3A_534, %swap3A_535, %swap3A_536] {strides = array<i32>} : memref<2x200x64xf32, #tpu.memory_space<vmem>>, vector<1x1x16xf32>,
        %swap3A_538 = vector.shape_cast %swap3A_537 : vector<1x1x16xf32> to vector<16xf32>
        %swap3A_539 = vector.shape_cast %mul3A_532 : vector<16xf32> to vector<1x1x16xf32>
        tpu.vector_store %arg7[%swap3A_534, %swap3A_535, %swap3A_536], %swap3A_539 {strides = array<i32>} : memref<2x200x64xf32, #tpu.memory_space<vmem>>, vector<1x1x16xf32>,
        %get3A_540 = arith.constant 0 : i32
        %get3A_541 = arith.index_cast %get3A_540 : i32 to index
        %get3A_542 = arith.index_cast %scan3A_523 : i32 to index
        %get3A_543 = arith.constant 16 : index
        %get3A_544 = tpu.vector_load %arg6[%get3A_541, %get3A_542, %get3A_543] {strides = array<i32>} : memref<2x200x128xf32, #tpu.memory_space<vmem>>, vector<1x1x16xf32>,
        %get3A_545 = vector.shape_cast %get3A_544 : vector<1x1x16xf32> to vector<16xf32>
        %mul3A_546 = arith.constant 8.000000e+00 : f32
        %mul3A_547 = vector.broadcast %mul3A_546 : f32 to vector<16xf32>
        %mul3A_548 = arith.mulf %get3A_545, %mul3A_547 : vector<16xf32>
        %swap3A_549 = arith.constant 0 : i32
        %swap3A_550 = arith.index_cast %swap3A_549 : i32 to index
        %swap3A_551 = arith.index_cast %scan3A_523 : i32 to index
        %swap3A_552 = arith.constant 16 : index
        %swap3A_553 = tpu.vector_load %arg7[%swap3A_550, %swap3A_551, %swap3A_552] {strides = array<i32>} : memref<2x200x64xf32, #tpu.memory_space<vmem>>, vector<1x1x16xf32>,
        %swap3A_554 = vector.shape_cast %swap3A_553 : vector<1x1x16xf32> to vector<16xf32>
        %swap3A_555 = vector.shape_cast %mul3A_548 : vector<16xf32> to vector<1x1x16xf32>
        tpu.vector_store %arg7[%swap3A_550, %swap3A_551, %swap3A_552], %swap3A_555 {strides = array<i32>} : memref<2x200x64xf32, #tpu.memory_space<vmem>>, vector<1x1x16xf32>,
        %get3A_556 = arith.constant 0 : i32
        %get3A_557 = arith.index_cast %get3A_556 : i32 to index
        %get3A_558 = arith.index_cast %scan3A_523 : i32 to index
        %get3A_559 = arith.constant 32 : index
        %get3A_560 = tpu.vector_load %arg6[%get3A_557, %get3A_558, %get3A_559] {strides = array<i32>} : memref<2x200x128xf32, #tpu.memory_space<vmem>>, vector<1x1x16xf32>,
        %get3A_561 = vector.shape_cast %get3A_560 : vector<1x1x16xf32> to vector<16xf32>
        %mul3A_562 = arith.constant 8.000000e+00 : f32
        %mul3A_563 = vector.broadcast %mul3A_562 : f32 to vector<16xf32>
        %mul3A_564 = arith.mulf %get3A_561, %mul3A_563 : vector<16xf32>
        %swap3A_565 = arith.constant 0 : i32
        %swap3A_566 = arith.index_cast %swap3A_565 : i32 to index
        %swap3A_567 = arith.index_cast %scan3A_523 : i32 to index
        %swap3A_568 = arith.constant 32 : index
        %swap3A_569 = tpu.vector_load %arg7[%swap3A_566, %swap3A_567, %swap3A_568] {strides = array<i32>} : memref<2x200x64xf32, #tpu.memory_space<vmem>>, vector<1x1x16xf32>,
        %swap3A_570 = vector.shape_cast %swap3A_569 : vector<1x1x16xf32> to vector<16xf32>
        %swap3A_571 = vector.shape_cast %mul3A_564 : vector<16xf32> to vector<1x1x16xf32>
        tpu.vector_store %arg7[%swap3A_566, %swap3A_567, %swap3A_568], %swap3A_571 {strides = array<i32>} : memref<2x200x64xf32, #tpu.memory_space<vmem>>, vector<1x1x16xf32>,
        %get3A_572 = arith.constant 0 : i32
        %get3A_573 = arith.index_cast %get3A_572 : i32 to index
        %get3A_574 = arith.index_cast %scan3A_523 : i32 to index
        %get3A_575 = arith.constant 48 : index
        %get3A_576 = tpu.vector_load %arg6[%get3A_573, %get3A_574, %get3A_575] {strides = array<i32>} : memref<2x200x128xf32, #tpu.memory_space<vmem>>, vector<1x1x16xf32>,
        %get3A_577 = vector.shape_cast %get3A_576 : vector<1x1x16xf32> to vector<16xf32>
        %mul3A_578 = arith.constant 8.000000e+00 : f32
        %mul3A_579 = vector.broadcast %mul3A_578 : f32 to vector<16xf32>
        %mul3A_580 = arith.mulf %get3A_577, %mul3A_579 : vector<16xf32>
        %swap3A_581 = arith.constant 0 : i32
        %swap3A_582 = arith.index_cast %swap3A_581 : i32 to index
        %swap3A_583 = arith.index_cast %scan3A_523 : i32 to index
        %swap3A_584 = arith.constant 48 : index
        %swap3A_585 = tpu.vector_load %arg7[%swap3A_582, %swap3A_583, %swap3A_584] {strides = array<i32>} : memref<2x200x64xf32, #tpu.memory_space<vmem>>, vector<1x1x16xf32>,
        %swap3A_586 = vector.shape_cast %swap3A_585 : vector<1x1x16xf32> to vector<16xf32>
        %swap3A_587 = vector.shape_cast %mul3A_580 : vector<16xf32> to vector<1x1x16xf32>
        tpu.vector_store %arg7[%swap3A_582, %swap3A_583, %swap3A_584], %swap3A_587 {strides = array<i32>} : memref<2x200x64xf32, #tpu.memory_space<vmem>>, vector<1x1x16xf32>,
        %scan3A_588 = arith.constant 6 : i32
        %scan3A_589 = arith.addi %scan3A_195, %scan3A_588 : i32
        %get3A_590 = arith.constant 0 : i32
        %get3A_591 = arith.index_cast %get3A_590 : i32 to index
        %get3A_592 = arith.index_cast %scan3A_589 : i32 to index
        %get3A_593 = arith.constant 0 : index
        %get3A_594 = tpu.vector_load %arg6[%get3A_591, %get3A_592, %get3A_593] {strides = array<i32>} : memref<2x200x128xf32, #tpu.memory_space<vmem>>, vector<1x1x16xf32>,
        %get3A_595 = vector.shape_cast %get3A_594 : vector<1x1x16xf32> to vector<16xf32>
        %mul3A_596 = arith.constant 8.000000e+00 : f32
        %mul3A_597 = vector.broadcast %mul3A_596 : f32 to vector<16xf32>
        %mul3A_598 = arith.mulf %get3A_595, %mul3A_597 : vector<16xf32>
        %swap3A_599 = arith.constant 0 : i32
        %swap3A_600 = arith.index_cast %swap3A_599 : i32 to index
        %swap3A_601 = arith.index_cast %scan3A_589 : i32 to index
        %swap3A_602 = arith.constant 0 : index
        %swap3A_603 = tpu.vector_load %arg7[%swap3A_600, %swap3A_601, %swap3A_602] {strides = array<i32>} : memref<2x200x64xf32, #tpu.memory_space<vmem>>, vector<1x1x16xf32>,
        %swap3A_604 = vector.shape_cast %swap3A_603 : vector<1x1x16xf32> to vector<16xf32>
        %swap3A_605 = vector.shape_cast %mul3A_598 : vector<16xf32> to vector<1x1x16xf32>
        tpu.vector_store %arg7[%swap3A_600, %swap3A_601, %swap3A_602], %swap3A_605 {strides = array<i32>} : memref<2x200x64xf32, #tpu.memory_space<vmem>>, vector<1x1x16xf32>,
        %get3A_606 = arith.constant 0 : i32
        %get3A_607 = arith.index_cast %get3A_606 : i32 to index
        %get3A_608 = arith.index_cast %scan3A_589 : i32 to index
        %get3A_609 = arith.constant 16 : index
        %get3A_610 = tpu.vector_load %arg6[%get3A_607, %get3A_608, %get3A_609] {strides = array<i32>} : memref<2x200x128xf32, #tpu.memory_space<vmem>>, vector<1x1x16xf32>,
        %get3A_611 = vector.shape_cast %get3A_610 : vector<1x1x16xf32> to vector<16xf32>
        %mul3A_612 = arith.constant 8.000000e+00 : f32
        %mul3A_613 = vector.broadcast %mul3A_612 : f32 to vector<16xf32>
        %mul3A_614 = arith.mulf %get3A_611, %mul3A_613 : vector<16xf32>
        %swap3A_615 = arith.constant 0 : i32
        %swap3A_616 = arith.index_cast %swap3A_615 : i32 to index
        %swap3A_617 = arith.index_cast %scan3A_589 : i32 to index
        %swap3A_618 = arith.constant 16 : index
        %swap3A_619 = tpu.vector_load %arg7[%swap3A_616, %swap3A_617, %swap3A_618] {strides = array<i32>} : memref<2x200x64xf32, #tpu.memory_space<vmem>>, vector<1x1x16xf32>,
        %swap3A_620 = vector.shape_cast %swap3A_619 : vector<1x1x16xf32> to vector<16xf32>
        %swap3A_621 = vector.shape_cast %mul3A_614 : vector<16xf32> to vector<1x1x16xf32>
        tpu.vector_store %arg7[%swap3A_616, %swap3A_617, %swap3A_618], %swap3A_621 {strides = array<i32>} : memref<2x200x64xf32, #tpu.memory_space<vmem>>, vector<1x1x16xf32>,
        %get3A_622 = arith.constant 0 : i32
        %get3A_623 = arith.index_cast %get3A_622 : i32 to index
        %get3A_624 = arith.index_cast %scan3A_589 : i32 to index
        %get3A_625 = arith.constant 32 : index
        %get3A_626 = tpu.vector_load %arg6[%get3A_623, %get3A_624, %get3A_625] {strides = array<i32>} : memref<2x200x128xf32, #tpu.memory_space<vmem>>, vector<1x1x16xf32>,
        %get3A_627 = vector.shape_cast %get3A_626 : vector<1x1x16xf32> to vector<16xf32>
        %mul3A_628 = arith.constant 8.000000e+00 : f32
        %mul3A_629 = vector.broadcast %mul3A_628 : f32 to vector<16xf32>
        %mul3A_630 = arith.mulf %get3A_627, %mul3A_629 : vector<16xf32>
        %swap3A_631 = arith.constant 0 : i32
        %swap3A_632 = arith.index_cast %swap3A_631 : i32 to index
        %swap3A_633 = arith.index_cast %scan3A_589 : i32 to index
        %swap3A_634 = arith.constant 32 : index
        %swap3A_635 = tpu.vector_load %arg7[%swap3A_632, %swap3A_633, %swap3A_634] {strides = array<i32>} : memref<2x200x64xf32, #tpu.memory_space<vmem>>, vector<1x1x16xf32>,
        %swap3A_636 = vector.shape_cast %swap3A_635 : vector<1x1x16xf32> to vector<16xf32>
        %swap3A_637 = vector.shape_cast %mul3A_630 : vector<16xf32> to vector<1x1x16xf32>
        tpu.vector_store %arg7[%swap3A_632, %swap3A_633, %swap3A_634], %swap3A_637 {strides = array<i32>} : memref<2x200x64xf32, #tpu.memory_space<vmem>>, vector<1x1x16xf32>,
        %get3A_638 = arith.constant 0 : i32
        %get3A_639 = arith.index_cast %get3A_638 : i32 to index
        %get3A_640 = arith.index_cast %scan3A_589 : i32 to index
        %get3A_641 = arith.constant 48 : index
        %get3A_642 = tpu.vector_load %arg6[%get3A_639, %get3A_640, %get3A_641] {strides = array<i32>} : memref<2x200x128xf32, #tpu.memory_space<vmem>>, vector<1x1x16xf32>,
        %get3A_643 = vector.shape_cast %get3A_642 : vector<1x1x16xf32> to vector<16xf32>
        %mul3A_644 = arith.constant 8.000000e+00 : f32
        %mul3A_645 = vector.broadcast %mul3A_644 : f32 to vector<16xf32>
        %mul3A_646 = arith.mulf %get3A_643, %mul3A_645 : vector<16xf32>
        %swap3A_647 = arith.constant 0 : i32
        %swap3A_648 = arith.index_cast %swap3A_647 : i32 to index
        %swap3A_649 = arith.index_cast %scan3A_589 : i32 to index
        %swap3A_650 = arith.constant 48 : index
        %swap3A_651 = tpu.vector_load %arg7[%swap3A_648, %swap3A_649, %swap3A_650] {strides = array<i32>} : memref<2x200x64xf32, #tpu.memory_space<vmem>>, vector<1x1x16xf32>,
        %swap3A_652 = vector.shape_cast %swap3A_651 : vector<1x1x16xf32> to vector<16xf32>
        %swap3A_653 = vector.shape_cast %mul3A_646 : vector<16xf32> to vector<1x1x16xf32>
        tpu.vector_store %arg7[%swap3A_648, %swap3A_649, %swap3A_650], %swap3A_653 {strides = array<i32>} : memref<2x200x64xf32, #tpu.memory_space<vmem>>, vector<1x1x16xf32>,
        %scan3A_654 = arith.constant 7 : i32
        %scan3A_655 = arith.addi %scan3A_195, %scan3A_654 : i32
        %get3A_656 = arith.constant 0 : i32
        %get3A_657 = arith.index_cast %get3A_656 : i32 to index
        %get3A_658 = arith.index_cast %scan3A_655 : i32 to index
        %get3A_659 = arith.constant 0 : index
        %get3A_660 = tpu.vector_load %arg6[%get3A_657, %get3A_658, %get3A_659] {strides = array<i32>} : memref<2x200x128xf32, #tpu.memory_space<vmem>>, vector<1x1x16xf32>,
        %get3A_661 = vector.shape_cast %get3A_660 : vector<1x1x16xf32> to vector<16xf32>
        %mul3A_662 = arith.constant 8.000000e+00 : f32
        %mul3A_663 = vector.broadcast %mul3A_662 : f32 to vector<16xf32>
        %mul3A_664 = arith.mulf %get3A_661, %mul3A_663 : vector<16xf32>
        %swap3A_665 = arith.constant 0 : i32
        %swap3A_666 = arith.index_cast %swap3A_665 : i32 to index
        %swap3A_667 = arith.index_cast %scan3A_655 : i32 to index
        %swap3A_668 = arith.constant 0 : index
        %swap3A_669 = tpu.vector_load %arg7[%swap3A_666, %swap3A_667, %swap3A_668] {strides = array<i32>} : memref<2x200x64xf32, #tpu.memory_space<vmem>>, vector<1x1x16xf32>,
        %swap3A_670 = vector.shape_cast %swap3A_669 : vector<1x1x16xf32> to vector<16xf32>
        %swap3A_671 = vector.shape_cast %mul3A_664 : vector<16xf32> to vector<1x1x16xf32>
        tpu.vector_store %arg7[%swap3A_666, %swap3A_667, %swap3A_668], %swap3A_671 {strides = array<i32>} : memref<2x200x64xf32, #tpu.memory_space<vmem>>, vector<1x1x16xf32>,
        %get3A_672 = arith.constant 0 : i32
        %get3A_673 = arith.index_cast %get3A_672 : i32 to index
        %get3A_674 = arith.index_cast %scan3A_655 : i32 to index
        %get3A_675 = arith.constant 16 : index
        %get3A_676 = tpu.vector_load %arg6[%get3A_673, %get3A_674, %get3A_675] {strides = array<i32>} : memref<2x200x128xf32, #tpu.memory_space<vmem>>, vector<1x1x16xf32>,
        %get3A_677 = vector.shape_cast %get3A_676 : vector<1x1x16xf32> to vector<16xf32>
        %mul3A_678 = arith.constant 8.000000e+00 : f32
        %mul3A_679 = vector.broadcast %mul3A_678 : f32 to vector<16xf32>
        %mul3A_680 = arith.mulf %get3A_677, %mul3A_679 : vector<16xf32>
        %swap3A_681 = arith.constant 0 : i32
        %swap3A_682 = arith.index_cast %swap3A_681 : i32 to index
        %swap3A_683 = arith.index_cast %scan3A_655 : i32 to index
        %swap3A_684 = arith.constant 16 : index
        %swap3A_685 = tpu.vector_load %arg7[%swap3A_682, %swap3A_683, %swap3A_684] {strides = array<i32>} : memref<2x200x64xf32, #tpu.memory_space<vmem>>, vector<1x1x16xf32>,
        %swap3A_686 = vector.shape_cast %swap3A_685 : vector<1x1x16xf32> to vector<16xf32>
        %swap3A_687 = vector.shape_cast %mul3A_680 : vector<16xf32> to vector<1x1x16xf32>
        tpu.vector_store %arg7[%swap3A_682, %swap3A_683, %swap3A_684], %swap3A_687 {strides = array<i32>} : memref<2x200x64xf32, #tpu.memory_space<vmem>>, vector<1x1x16xf32>,
        %get3A_688 = arith.constant 0 : i32
        %get3A_689 = arith.index_cast %get3A_688 : i32 to index
        %get3A_690 = arith.index_cast %scan3A_655 : i32 to index
        %get3A_691 = arith.constant 32 : index
        %get3A_692 = tpu.vector_load %arg6[%get3A_689, %get3A_690, %get3A_691] {strides = array<i32>} : memref<2x200x128xf32, #tpu.memory_space<vmem>>, vector<1x1x16xf32>,
        %get3A_693 = vector.shape_cast %get3A_692 : vector<1x1x16xf32> to vector<16xf32>
        %mul3A_694 = arith.constant 8.000000e+00 : f32
        %mul3A_695 = vector.broadcast %mul3A_694 : f32 to vector<16xf32>
        %mul3A_696 = arith.mulf %get3A_693, %mul3A_695 : vector<16xf32>
        %swap3A_697 = arith.constant 0 : i32
        %swap3A_698 = arith.index_cast %swap3A_697 : i32 to index
        %swap3A_699 = arith.index_cast %scan3A_655 : i32 to index
        %swap3A_700 = arith.constant 32 : index
        %swap3A_701 = tpu.vector_load %arg7[%swap3A_698, %swap3A_699, %swap3A_700] {strides = array<i32>} : memref<2x200x64xf32, #tpu.memory_space<vmem>>, vector<1x1x16xf32>,
        %swap3A_702 = vector.shape_cast %swap3A_701 : vector<1x1x16xf32> to vector<16xf32>
        %swap3A_703 = vector.shape_cast %mul3A_696 : vector<16xf32> to vector<1x1x16xf32>
        tpu.vector_store %arg7[%swap3A_698, %swap3A_699, %swap3A_700], %swap3A_703 {strides = array<i32>} : memref<2x200x64xf32, #tpu.memory_space<vmem>>, vector<1x1x16xf32>,
        %get3A_704 = arith.constant 0 : i32
        %get3A_705 = arith.index_cast %get3A_704 : i32 to index
        %get3A_706 = arith.index_cast %scan3A_655 : i32 to index
        %get3A_707 = arith.constant 48 : index
        %get3A_708 = tpu.vector_load %arg6[%get3A_705, %get3A_706, %get3A_707] {strides = array<i32>} : memref<2x200x128xf32, #tpu.memory_space<vmem>>, vector<1x1x16xf32>,
        %get3A_709 = vector.shape_cast %get3A_708 : vector<1x1x16xf32> to vector<16xf32>
        %mul3A_710 = arith.constant 8.000000e+00 : f32
        %mul3A_711 = vector.broadcast %mul3A_710 : f32 to vector<16xf32>
        %mul3A_712 = arith.mulf %get3A_709, %mul3A_711 : vector<16xf32>
        %swap3A_713 = arith.constant 0 : i32
        %swap3A_714 = arith.index_cast %swap3A_713 : i32 to index
        %swap3A_715 = arith.index_cast %scan3A_655 : i32 to index
        %swap3A_716 = arith.constant 48 : index
        %swap3A_717 = tpu.vector_load %arg7[%swap3A_714, %swap3A_715, %swap3A_716] {strides = array<i32>} : memref<2x200x64xf32, #tpu.memory_space<vmem>>, vector<1x1x16xf32>,
        %swap3A_718 = vector.shape_cast %swap3A_717 : vector<1x1x16xf32> to vector<16xf32>
        %swap3A_719 = vector.shape_cast %mul3A_712 : vector<16xf32> to vector<1x1x16xf32>
        tpu.vector_store %arg7[%swap3A_714, %swap3A_715, %swap3A_716], %swap3A_719 {strides = array<i32>} : memref<2x200x64xf32, #tpu.memory_space<vmem>>, vector<1x1x16xf32>,
      }
      %scan3A_130 = arith.constant 200 : i32
      %dma_start3A_131 = arith.constant 0 : i32
      %dma_start3A_132 = arith.constant 0 : i32
      %dma_start3A_133 = arith.constant 0 : i32
      %dma_start3A_134 = tpu.memref_slice %arg7[%dma_start3A_131, %dma_start3A_132, %dma_start3A_133] : memref<2x200x64xf32, #tpu.memory_space<vmem>> -> memref<1x200x64xf32, #tpu.memory_space<vmem>>
      %dma_start3A_135 = arith.constant 0 : i32
      %dma_start3A_136 = arith.constant 0 : i32
      %dma_start3A_137 = tpu.memref_slice %arg4[%add3A_65, %dma_start3A_135, %dma_start3A_136] : memref<4096x200x64xf32, #tpu.memory_space<hbm>> -> memref<1x200x64xf32, #tpu.memory_space<hbm>>
      %dma_start3A_138 = arith.constant 0 : i32
      %dma_start3A_139 = arith.constant 0 : i32
      %dma_start3A_140 = tpu.memref_slice %arg4[%add3A_65, %dma_start3A_138, %dma_start3A_139] : memref<4096x200x64xf32, #tpu.memory_space<hbm>> -> memref<1x200x64xf32, #tpu.memory_space<hbm>>
      %dma_start3A_141 = arith.constant 0 : i32
      %dma_start3A_142 = arith.constant 0 : i32
      %dma_start3A_143 = arith.constant 0 : i32
      %dma_start3A_144 = tpu.memref_slice %arg7[%dma_start3A_141, %dma_start3A_142, %dma_start3A_143] : memref<2x200x64xf32, #tpu.memory_space<vmem>> -> memref<1x200x64xf32, #tpu.memory_space<vmem>>
      tpu.enqueue_dma source(%dma_start3A_144 : memref<1x200x64xf32, #tpu.memory_space<vmem>>) target(%dma_start3A_140 : memref<1x200x64xf32, #tpu.memory_space<hbm>>) target_semaphore(%arg10 : memref<!tpu.dma_semaphore, #tpu.memory_space<semaphore_mem>>)
      %dma_wait3A_145 = arith.constant 1 : i32
      %dma_wait3A_146 = arith.constant 0 : i32
      %dma_wait3A_147 = arith.constant 1 : i32
      %dma_wait3A_148 = arith.constant 0 : i32
      %dma_wait3A_149 = arith.constant 0 : i32
      %dma_wait3A_150 = tpu.memref_slice %arg6[%dma_wait3A_147, %dma_wait3A_148, %dma_wait3A_149] : memref<2x200x128xf32, #tpu.memory_space<vmem>> -> memref<1x100x128xf32, #tpu.memory_space<vmem>>
      %dma_wait3A_151 = tpu.memref_squeeze %dma_wait3A_150 : memref<1x100x128xf32, #tpu.memory_space<vmem>> -> memref<100x128xf32, #tpu.memory_space<vmem>>
      %dma_wait3A_152 = arith.constant 0 : i32
      %dma_wait3A_153 = tpu.memref_slice %arg5[%dma_wait3A_145, %dma_wait3A_146, %dma_wait3A_152] : memref<2x2x100xi32, #tpu.memory_space<vmem>> -> memref<1x1x100xi32, #tpu.memory_space<vmem>>
      %dma_wait3A_154 = tpu.memref_squeeze %dma_wait3A_153 : memref<1x1x100xi32, #tpu.memory_space<vmem>> -> memref<100xi32, #tpu.memory_space<vmem>>
      %dma_wait3A_155 = arith.constant 0 : i32
      %dma_wait3A_156 = arith.constant 0 : i32
      %dma_wait3A_157 = tpu.memref_slice %arg3[%dma_wait3A_155, %dma_wait3A_156] : memref<1000000x128xf32, #tpu.memory_space<hbm>> -> memref<1000000x128xf32, #tpu.memory_space<hbm>>
      tpu.wait_indirect_dma semaphore(%arg9 : memref<!tpu.dma_semaphore, #tpu.memory_space<semaphore_mem>>) src(%dma_wait3A_157 : memref<1000000x128xf32, #tpu.memory_space<hbm>>) dst(%dma_wait3A_151 : memref<100x128xf32, #tpu.memory_space<vmem>>)
      %dma_wait3A_158 = arith.constant 1 : i32
      %dma_wait3A_159 = arith.constant 1 : i32
      %dma_wait3A_160 = arith.constant 1 : i32
      %dma_wait3A_161 = arith.constant 100 : i32
      %dma_wait3A_162 = arith.constant 0 : i32
      %dma_wait3A_163 = tpu.memref_slice %arg6[%dma_wait3A_160, %dma_wait3A_161, %dma_wait3A_162] : memref<2x200x128xf32, #tpu.memory_space<vmem>> -> memref<1x100x128xf32, #tpu.memory_space<vmem>>
      %dma_wait3A_164 = tpu.memref_squeeze %dma_wait3A_163 : memref<1x100x128xf32, #tpu.memory_space<vmem>> -> memref<100x128xf32, #tpu.memory_space<vmem>>
      %dma_wait3A_165 = arith.constant 0 : i32
      %dma_wait3A_166 = tpu.memref_slice %arg5[%dma_wait3A_158, %dma_wait3A_159, %dma_wait3A_165] : memref<2x2x100xi32, #tpu.memory_space<vmem>> -> memref<1x1x100xi32, #tpu.memory_space<vmem>>
      %dma_wait3A_167 = tpu.memref_squeeze %dma_wait3A_166 : memref<1x1x100xi32, #tpu.memory_space<vmem>> -> memref<100xi32, #tpu.memory_space<vmem>>
      %dma_wait3A_168 = arith.constant 0 : i32
      %dma_wait3A_169 = arith.constant 0 : i32
      %dma_wait3A_170 = tpu.memref_slice %arg3[%dma_wait3A_168, %dma_wait3A_169] : memref<1000000x128xf32, #tpu.memory_space<hbm>> -> memref<1000000x128xf32, #tpu.memory_space<hbm>>
      tpu.wait_indirect_dma semaphore(%arg9 : memref<!tpu.dma_semaphore, #tpu.memory_space<semaphore_mem>>) src(%dma_wait3A_170 : memref<1000000x128xf32, #tpu.memory_space<hbm>>) dst(%dma_wait3A_164 : memref<100x128xf32, #tpu.memory_space<vmem>>)
      %lt3A = arith.constant 63 : i32
      %lt3A_171 = arith.cmpi slt, %scan3A_62, %lt3A : i32
      %convert_element_type3A_172 = arith.extui %lt3A_171 : i1 to i32
      %cond3A_173 = arith.constant 0 : i32
      %cond3A_174 = arith.cmpi ne, %convert_element_type3A_172, %cond3A_173 : i32
      scf.if %cond3A_174 {
        %dma_wait3A_195 = arith.constant 0 : i32
        %dma_wait3A_196 = arith.constant 0 : i32
        %dma_wait3A_197 = arith.constant 0 : i32
        %dma_wait3A_198 = tpu.memref_slice %arg7[%dma_wait3A_195, %dma_wait3A_196, %dma_wait3A_197] : memref<2x200x64xf32, #tpu.memory_space<vmem>> -> memref<1x200x64xf32, #tpu.memory_space<vmem>>
        %dma_wait3A_199 = arith.constant 0 : i32
        %dma_wait3A_200 = arith.constant 0 : i32
        %dma_wait3A_201 = tpu.memref_slice %arg4[%multiple_of3A, %dma_wait3A_199, %dma_wait3A_200] : memref<4096x200x64xf32, #tpu.memory_space<hbm>> -> memref<1x200x64xf32, #tpu.memory_space<hbm>>
        %dma_wait3A_202 = arith.constant 0 : i32
        %dma_wait3A_203 = arith.constant 0 : i32
        %dma_wait3A_204 = tpu.memref_slice %arg4[%multiple_of3A, %dma_wait3A_202, %dma_wait3A_203] : memref<4096x200x64xf32, #tpu.memory_space<hbm>> -> memref<1x200x64xf32, #tpu.memory_space<hbm>>
        %dma_wait3A_205 = arith.constant 0 : i32
        %dma_wait3A_206 = arith.constant 0 : i32
        %dma_wait3A_207 = arith.constant 0 : i32
        %dma_wait3A_208 = tpu.memref_slice %arg7[%dma_wait3A_205, %dma_wait3A_206, %dma_wait3A_207] : memref<2x200x64xf32, #tpu.memory_space<vmem>> -> memref<1x200x64xf32, #tpu.memory_space<vmem>>
        tpu.wait_dma2 semaphore(%arg10 : memref<!tpu.dma_semaphore, #tpu.memory_space<semaphore_mem>>) src(%dma_wait3A_208 : memref<1x200x64xf32, #tpu.memory_space<vmem>>) dst(%dma_wait3A_204 : memref<1x200x64xf32, #tpu.memory_space<hbm>>)
        %add3A_209 = arith.constant 2 : i32
        %add3A_210 = arith.addi %mul3A_64, %add3A_209 : i32
        %add3A_211 = arith.addi %multiple_of3A, %add3A_210 : i32
        "tpu.region"() ({
          %run_scoped3A = tpu.sem_alloc : memref<!tpu.dma_semaphore, #tpu.memory_space<semaphore_mem>>
          %dma_start3A_238 = arith.constant 0 : i32
          %dma_start3A_239 = arith.constant 0 : i32
          %dma_start3A_240 = arith.constant 0 : i32
          %dma_start3A_241 = tpu.memref_slice %arg5[%dma_start3A_238, %dma_start3A_239, %dma_start3A_240] : memref<2x2x100xi32, #tpu.memory_space<vmem>> -> memref<1x2x100xi32, #tpu.memory_space<vmem>>
          %dma_start3A_242 = arith.constant 0 : i32
          %dma_start3A_243 = arith.constant 0 : i32
          %dma_start3A_244 = tpu.memref_slice %arg2[%add3A_211, %dma_start3A_242, %dma_start3A_243] : memref<4096x2x100xi32, #tpu.memory_space<hbm>> -> memref<1x2x100xi32, #tpu.memory_space<hbm>>
          %dma_start3A_245 = arith.constant 0 : i32
          %dma_start3A_246 = arith.constant 0 : i32
          %dma_start3A_247 = arith.constant 0 : i32
          %dma_start3A_248 = tpu.memref_slice %arg5[%dma_start3A_245, %dma_start3A_246, %dma_start3A_247] : memref<2x2x100xi32, #tpu.memory_space<vmem>> -> memref<1x2x100xi32, #tpu.memory_space<vmem>>
          %dma_start3A_249 = arith.constant 0 : i32
          %dma_start3A_250 = arith.constant 0 : i32
          %dma_start3A_251 = tpu.memref_slice %arg2[%add3A_211, %dma_start3A_249, %dma_start3A_250] : memref<4096x2x100xi32, #tpu.memory_space<hbm>> -> memref<1x2x100xi32, #tpu.memory_space<hbm>>
          tpu.enqueue_dma source(%dma_start3A_251 : memref<1x2x100xi32, #tpu.memory_space<hbm>>) target(%dma_start3A_248 : memref<1x2x100xi32, #tpu.memory_space<vmem>>) target_semaphore(%run_scoped3A : memref<!tpu.dma_semaphore, #tpu.memory_space<semaphore_mem>>)
          %dma_wait3A_252 = arith.constant 0 : i32
          %dma_wait3A_253 = arith.constant 0 : i32
          %dma_wait3A_254 = arith.constant 0 : i32
          %dma_wait3A_255 = tpu.memref_slice %arg5[%dma_wait3A_252, %dma_wait3A_253, %dma_wait3A_254] : memref<2x2x100xi32, #tpu.memory_space<vmem>> -> memref<1x2x100xi32, #tpu.memory_space<vmem>>
          %dma_wait3A_256 = arith.constant 0 : i32
          %dma_wait3A_257 = arith.constant 0 : i32
          %dma_wait3A_258 = tpu.memref_slice %arg2[%add3A_211, %dma_wait3A_256, %dma_wait3A_257] : memref<4096x2x100xi32, #tpu.memory_space<hbm>> -> memref<1x2x100xi32, #tpu.memory_space<hbm>>
          %dma_wait3A_259 = arith.constant 0 : i32
          %dma_wait3A_260 = arith.constant 0 : i32
          %dma_wait3A_261 = arith.constant 0 : i32
          %dma_wait3A_262 = tpu.memref_slice %arg5[%dma_wait3A_259, %dma_wait3A_260, %dma_wait3A_261] : memref<2x2x100xi32, #tpu.memory_space<vmem>> -> memref<1x2x100xi32, #tpu.memory_space<vmem>>
          %dma_wait3A_263 = arith.constant 0 : i32
          %dma_wait3A_264 = arith.constant 0 : i32
          %dma_wait3A_265 = tpu.memref_slice %arg2[%add3A_211, %dma_wait3A_263, %dma_wait3A_264] : memref<4096x2x100xi32, #tpu.memory_space<hbm>> -> memref<1x2x100xi32, #tpu.memory_space<hbm>>
          tpu.wait_dma2 semaphore(%run_scoped3A : memref<!tpu.dma_semaphore, #tpu.memory_space<semaphore_mem>>) src(%dma_wait3A_265 : memref<1x2x100xi32, #tpu.memory_space<hbm>>) dst(%dma_wait3A_262 : memref<1x2x100xi32, #tpu.memory_space<vmem>>)
          tpu.yield
        }) : () -> ()
        %dma_start3A_212 = arith.constant 0 : i32
        %dma_start3A_213 = arith.constant 0 : i32
        %dma_start3A_214 = arith.constant 0 : i32
        %dma_start3A_215 = arith.constant 0 : i32
        %dma_start3A_216 = arith.constant 0 : i32
        %dma_start3A_217 = tpu.memref_slice %arg6[%dma_start3A_214, %dma_start3A_215, %dma_start3A_216] : memref<2x200x128xf32, #tpu.memory_space<vmem>> -> memref<1x100x128xf32, #tpu.memory_space<vmem>>
        %dma_start3A_218 = tpu.memref_squeeze %dma_start3A_217 : memref<1x100x128xf32, #tpu.memory_space<vmem>> -> memref<100x128xf32, #tpu.memory_space<vmem>>
        %dma_start3A_219 = arith.constant 0 : i32
        %dma_start3A_220 = tpu.memref_slice %arg5[%dma_start3A_212, %dma_start3A_213, %dma_start3A_219] : memref<2x2x100xi32, #tpu.memory_space<vmem>> -> memref<1x1x100xi32, #tpu.memory_space<vmem>>
        %dma_start3A_221 = tpu.memref_squeeze %dma_start3A_220 : memref<1x1x100xi32, #tpu.memory_space<vmem>> -> memref<100xi32, #tpu.memory_space<vmem>>
        %dma_start3A_222 = arith.constant 0 : i32
        %dma_start3A_223 = arith.constant 0 : i32
        %dma_start3A_224 = tpu.memref_slice %arg3[%dma_start3A_222, %dma_start3A_223] : memref<1000000x128xf32, #tpu.memory_space<hbm>> -> memref<1000000x128xf32, #tpu.memory_space<hbm>>
        tpu.enqueue_indirect_dma source(%dma_start3A_224 : memref<1000000x128xf32, #tpu.memory_space<hbm>>) target(%dma_start3A_218 : memref<100x128xf32, #tpu.memory_space<vmem>>) offsets(%dma_start3A_221 : memref<100xi32, #tpu.memory_space<vmem>>) semaphore(%arg8 : memref<!tpu.dma_semaphore, #tpu.memory_space<semaphore_mem>>)
        %dma_start3A_225 = arith.constant 0 : i32
        %dma_start3A_226 = arith.constant 1 : i32
        %dma_start3A_227 = arith.constant 0 : i32
        %dma_start3A_228 = arith.constant 100 : i32
        %dma_start3A_229 = arith.constant 0 : i32
        %dma_start3A_230 = tpu.memref_slice %arg6[%dma_start3A_227, %dma_start3A_228, %dma_start3A_229] : memref<2x200x128xf32, #tpu.memory_space<vmem>> -> memref<1x100x128xf32, #tpu.memory_space<vmem>>
        %dma_start3A_231 = tpu.memref_squeeze %dma_start3A_230 : memref<1x100x128xf32, #tpu.memory_space<vmem>> -> memref<100x128xf32, #tpu.memory_space<vmem>>
        %dma_start3A_232 = arith.constant 0 : i32
        %dma_start3A_233 = tpu.memref_slice %arg5[%dma_start3A_225, %dma_start3A_226, %dma_start3A_232] : memref<2x2x100xi32, #tpu.memory_space<vmem>> -> memref<1x1x100xi32, #tpu.memory_space<vmem>>
        %dma_start3A_234 = tpu.memref_squeeze %dma_start3A_233 : memref<1x1x100xi32, #tpu.memory_space<vmem>> -> memref<100xi32, #tpu.memory_space<vmem>>
        %dma_start3A_235 = arith.constant 0 : i32
        %dma_start3A_236 = arith.constant 0 : i32
        %dma_start3A_237 = tpu.memref_slice %arg3[%dma_start3A_235, %dma_start3A_236] : memref<1000000x128xf32, #tpu.memory_space<hbm>> -> memref<1000000x128xf32, #tpu.memory_space<hbm>>
        tpu.enqueue_indirect_dma source(%dma_start3A_237 : memref<1000000x128xf32, #tpu.memory_space<hbm>>) target(%dma_start3A_231 : memref<100x128xf32, #tpu.memory_space<vmem>>) offsets(%dma_start3A_234 : memref<100xi32, #tpu.memory_space<vmem>>) semaphore(%arg8 : memref<!tpu.dma_semaphore, #tpu.memory_space<semaphore_mem>>)
      } else {
      }
      %scan3A_175 = arith.constant 0 : i32
      %scan3A_176 = arith.constant 0 : i32
      %scan3A_177 = arith.constant 200 : i32
      %scan3A_178 = arith.addi %scan3A_176, %scan3A_177 : i32
      %scan3A_179 = arith.constant 8 : i32
      scf.for %scan3A_195 = %scan3A_176 to %scan3A_178 step %scan3A_179  : i32 {
        %get3A = arith.constant 1 : i32
        %get3A_196 = arith.index_cast %get3A : i32 to index
        %get3A_197 = arith.index_cast %scan3A_195 : i32 to index
        %get3A_198 = arith.constant 0 : index
        %get3A_199 = tpu.vector_load %arg6[%get3A_196, %get3A_197, %get3A_198] {strides = array<i32>} : memref<2x200x128xf32, #tpu.memory_space<vmem>>, vector<1x1x16xf32>,
        %get3A_200 = vector.shape_cast %get3A_199 : vector<1x1x16xf32> to vector<16xf32>
        %mul3A_201 = arith.constant 8.000000e+00 : f32
        %mul3A_202 = vector.broadcast %mul3A_201 : f32 to vector<16xf32>
        %mul3A_203 = arith.mulf %get3A_200, %mul3A_202 : vector<16xf32>
        %swap3A = arith.constant 1 : i32
        %swap3A_204 = arith.index_cast %swap3A : i32 to index
        %swap3A_205 = arith.index_cast %scan3A_195 : i32 to index
        %swap3A_206 = arith.constant 0 : index
        %swap3A_207 = tpu.vector_load %arg7[%swap3A_204, %swap3A_205, %swap3A_206] {strides = array<i32>} : memref<2x200x64xf32, #tpu.memory_space<vmem>>, vector<1x1x16xf32>,
        %swap3A_208 = vector.shape_cast %swap3A_207 : vector<1x1x16xf32> to vector<16xf32>
        %swap3A_209 = vector.shape_cast %mul3A_203 : vector<16xf32> to vector<1x1x16xf32>
        tpu.vector_store %arg7[%swap3A_204, %swap3A_205, %swap3A_206], %swap3A_209 {strides = array<i32>} : memref<2x200x64xf32, #tpu.memory_space<vmem>>, vector<1x1x16xf32>,
        %get3A_210 = arith.constant 1 : i32
        %get3A_211 = arith.index_cast %get3A_210 : i32 to index
        %get3A_212 = arith.index_cast %scan3A_195 : i32 to index
        %get3A_213 = arith.constant 16 : index
        %get3A_214 = tpu.vector_load %arg6[%get3A_211, %get3A_212, %get3A_213] {strides = array<i32>} : memref<2x200x128xf32, #tpu.memory_space<vmem>>, vector<1x1x16xf32>,
        %get3A_215 = vector.shape_cast %get3A_214 : vector<1x1x16xf32> to vector<16xf32>
        %mul3A_216 = arith.constant 8.000000e+00 : f32
        %mul3A_217 = vector.broadcast %mul3A_216 : f32 to vector<16xf32>
        %mul3A_218 = arith.mulf %get3A_215, %mul3A_217 : vector<16xf32>
        %swap3A_219 = arith.constant 1 : i32
        %swap3A_220 = arith.index_cast %swap3A_219 : i32 to index
        %swap3A_221 = arith.index_cast %scan3A_195 : i32 to index
        %swap3A_222 = arith.constant 16 : index
        %swap3A_223 = tpu.vector_load %arg7[%swap3A_220, %swap3A_221, %swap3A_222] {strides = array<i32>} : memref<2x200x64xf32, #tpu.memory_space<vmem>>, vector<1x1x16xf32>,
        %swap3A_224 = vector.shape_cast %swap3A_223 : vector<1x1x16xf32> to vector<16xf32>
        %swap3A_225 = vector.shape_cast %mul3A_218 : vector<16xf32> to vector<1x1x16xf32>
        tpu.vector_store %arg7[%swap3A_220, %swap3A_221, %swap3A_222], %swap3A_225 {strides = array<i32>} : memref<2x200x64xf32, #tpu.memory_space<vmem>>, vector<1x1x16xf32>,
        %get3A_226 = arith.constant 1 : i32
        %get3A_227 = arith.index_cast %get3A_226 : i32 to index
        %get3A_228 = arith.index_cast %scan3A_195 : i32 to index
        %get3A_229 = arith.constant 32 : index
        %get3A_230 = tpu.vector_load %arg6[%get3A_227, %get3A_228, %get3A_229] {strides = array<i32>} : memref<2x200x128xf32, #tpu.memory_space<vmem>>, vector<1x1x16xf32>,
        %get3A_231 = vector.shape_cast %get3A_230 : vector<1x1x16xf32> to vector<16xf32>
        %mul3A_232 = arith.constant 8.000000e+00 : f32
        %mul3A_233 = vector.broadcast %mul3A_232 : f32 to vector<16xf32>
        %mul3A_234 = arith.mulf %get3A_231, %mul3A_233 : vector<16xf32>
        %swap3A_235 = arith.constant 1 : i32
        %swap3A_236 = arith.index_cast %swap3A_235 : i32 to index
        %swap3A_237 = arith.index_cast %scan3A_195 : i32 to index
        %swap3A_238 = arith.constant 32 : index
        %swap3A_239 = tpu.vector_load %arg7[%swap3A_236, %swap3A_237, %swap3A_238] {strides = array<i32>} : memref<2x200x64xf32, #tpu.memory_space<vmem>>, vector<1x1x16xf32>,
        %swap3A_240 = vector.shape_cast %swap3A_239 : vector<1x1x16xf32> to vector<16xf32>
        %swap3A_241 = vector.shape_cast %mul3A_234 : vector<16xf32> to vector<1x1x16xf32>
        tpu.vector_store %arg7[%swap3A_236, %swap3A_237, %swap3A_238], %swap3A_241 {strides = array<i32>} : memref<2x200x64xf32, #tpu.memory_space<vmem>>, vector<1x1x16xf32>,
        %get3A_242 = arith.constant 1 : i32
        %get3A_243 = arith.index_cast %get3A_242 : i32 to index
        %get3A_244 = arith.index_cast %scan3A_195 : i32 to index
        %get3A_245 = arith.constant 48 : index
        %get3A_246 = tpu.vector_load %arg6[%get3A_243, %get3A_244, %get3A_245] {strides = array<i32>} : memref<2x200x128xf32, #tpu.memory_space<vmem>>, vector<1x1x16xf32>,
        %get3A_247 = vector.shape_cast %get3A_246 : vector<1x1x16xf32> to vector<16xf32>
        %mul3A_248 = arith.constant 8.000000e+00 : f32
        %mul3A_249 = vector.broadcast %mul3A_248 : f32 to vector<16xf32>
        %mul3A_250 = arith.mulf %get3A_247, %mul3A_249 : vector<16xf32>
        %swap3A_251 = arith.constant 1 : i32
        %swap3A_252 = arith.index_cast %swap3A_251 : i32 to index
        %swap3A_253 = arith.index_cast %scan3A_195 : i32 to index
        %swap3A_254 = arith.constant 48 : index
        %swap3A_255 = tpu.vector_load %arg7[%swap3A_252, %swap3A_253, %swap3A_254] {strides = array<i32>} : memref<2x200x64xf32, #tpu.memory_space<vmem>>, vector<1x1x16xf32>,
        %swap3A_256 = vector.shape_cast %swap3A_255 : vector<1x1x16xf32> to vector<16xf32>
        %swap3A_257 = vector.shape_cast %mul3A_250 : vector<16xf32> to vector<1x1x16xf32>
        tpu.vector_store %arg7[%swap3A_252, %swap3A_253, %swap3A_254], %swap3A_257 {strides = array<i32>} : memref<2x200x64xf32, #tpu.memory_space<vmem>>, vector<1x1x16xf32>,
        %scan3A_258 = arith.constant 1 : i32
        %scan3A_259 = arith.addi %scan3A_195, %scan3A_258 : i32
        %get3A_260 = arith.constant 1 : i32
        %get3A_261 = arith.index_cast %get3A_260 : i32 to index
        %get3A_262 = arith.index_cast %scan3A_259 : i32 to index
        %get3A_263 = arith.constant 0 : index
        %get3A_264 = tpu.vector_load %arg6[%get3A_261, %get3A_262, %get3A_263] {strides = array<i32>} : memref<2x200x128xf32, #tpu.memory_space<vmem>>, vector<1x1x16xf32>,
        %get3A_265 = vector.shape_cast %get3A_264 : vector<1x1x16xf32> to vector<16xf32>
        %mul3A_266 = arith.constant 8.000000e+00 : f32
        %mul3A_267 = vector.broadcast %mul3A_266 : f32 to vector<16xf32>
        %mul3A_268 = arith.mulf %get3A_265, %mul3A_267 : vector<16xf32>
        %swap3A_269 = arith.constant 1 : i32
        %swap3A_270 = arith.index_cast %swap3A_269 : i32 to index
        %swap3A_271 = arith.index_cast %scan3A_259 : i32 to index
        %swap3A_272 = arith.constant 0 : index
        %swap3A_273 = tpu.vector_load %arg7[%swap3A_270, %swap3A_271, %swap3A_272] {strides = array<i32>} : memref<2x200x64xf32, #tpu.memory_space<vmem>>, vector<1x1x16xf32>,
        %swap3A_274 = vector.shape_cast %swap3A_273 : vector<1x1x16xf32> to vector<16xf32>
        %swap3A_275 = vector.shape_cast %mul3A_268 : vector<16xf32> to vector<1x1x16xf32>
        tpu.vector_store %arg7[%swap3A_270, %swap3A_271, %swap3A_272], %swap3A_275 {strides = array<i32>} : memref<2x200x64xf32, #tpu.memory_space<vmem>>, vector<1x1x16xf32>,
        %get3A_276 = arith.constant 1 : i32
        %get3A_277 = arith.index_cast %get3A_276 : i32 to index
        %get3A_278 = arith.index_cast %scan3A_259 : i32 to index
        %get3A_279 = arith.constant 16 : index
        %get3A_280 = tpu.vector_load %arg6[%get3A_277, %get3A_278, %get3A_279] {strides = array<i32>} : memref<2x200x128xf32, #tpu.memory_space<vmem>>, vector<1x1x16xf32>,
        %get3A_281 = vector.shape_cast %get3A_280 : vector<1x1x16xf32> to vector<16xf32>
        %mul3A_282 = arith.constant 8.000000e+00 : f32
        %mul3A_283 = vector.broadcast %mul3A_282 : f32 to vector<16xf32>
        %mul3A_284 = arith.mulf %get3A_281, %mul3A_283 : vector<16xf32>
        %swap3A_285 = arith.constant 1 : i32
        %swap3A_286 = arith.index_cast %swap3A_285 : i32 to index
        %swap3A_287 = arith.index_cast %scan3A_259 : i32 to index
        %swap3A_288 = arith.constant 16 : index
        %swap3A_289 = tpu.vector_load %arg7[%swap3A_286, %swap3A_287, %swap3A_288] {strides = array<i32>} : memref<2x200x64xf32, #tpu.memory_space<vmem>>, vector<1x1x16xf32>,
        %swap3A_290 = vector.shape_cast %swap3A_289 : vector<1x1x16xf32> to vector<16xf32>
        %swap3A_291 = vector.shape_cast %mul3A_284 : vector<16xf32> to vector<1x1x16xf32>
        tpu.vector_store %arg7[%swap3A_286, %swap3A_287, %swap3A_288], %swap3A_291 {strides = array<i32>} : memref<2x200x64xf32, #tpu.memory_space<vmem>>, vector<1x1x16xf32>,
        %get3A_292 = arith.constant 1 : i32
        %get3A_293 = arith.index_cast %get3A_292 : i32 to index
        %get3A_294 = arith.index_cast %scan3A_259 : i32 to index
        %get3A_295 = arith.constant 32 : index
        %get3A_296 = tpu.vector_load %arg6[%get3A_293, %get3A_294, %get3A_295] {strides = array<i32>} : memref<2x200x128xf32, #tpu.memory_space<vmem>>, vector<1x1x16xf32>,
        %get3A_297 = vector.shape_cast %get3A_296 : vector<1x1x16xf32> to vector<16xf32>
        %mul3A_298 = arith.constant 8.000000e+00 : f32
        %mul3A_299 = vector.broadcast %mul3A_298 : f32 to vector<16xf32>
        %mul3A_300 = arith.mulf %get3A_297, %mul3A_299 : vector<16xf32>
        %swap3A_301 = arith.constant 1 : i32
        %swap3A_302 = arith.index_cast %swap3A_301 : i32 to index
        %swap3A_303 = arith.index_cast %scan3A_259 : i32 to index
        %swap3A_304 = arith.constant 32 : index
        %swap3A_305 = tpu.vector_load %arg7[%swap3A_302, %swap3A_303, %swap3A_304] {strides = array<i32>} : memref<2x200x64xf32, #tpu.memory_space<vmem>>, vector<1x1x16xf32>,
        %swap3A_306 = vector.shape_cast %swap3A_305 : vector<1x1x16xf32> to vector<16xf32>
        %swap3A_307 = vector.shape_cast %mul3A_300 : vector<16xf32> to vector<1x1x16xf32>
        tpu.vector_store %arg7[%swap3A_302, %swap3A_303, %swap3A_304], %swap3A_307 {strides = array<i32>} : memref<2x200x64xf32, #tpu.memory_space<vmem>>, vector<1x1x16xf32>,
        %get3A_308 = arith.constant 1 : i32
        %get3A_309 = arith.index_cast %get3A_308 : i32 to index
        %get3A_310 = arith.index_cast %scan3A_259 : i32 to index
        %get3A_311 = arith.constant 48 : index
        %get3A_312 = tpu.vector_load %arg6[%get3A_309, %get3A_310, %get3A_311] {strides = array<i32>} : memref<2x200x128xf32, #tpu.memory_space<vmem>>, vector<1x1x16xf32>,
        %get3A_313 = vector.shape_cast %get3A_312 : vector<1x1x16xf32> to vector<16xf32>
        %mul3A_314 = arith.constant 8.000000e+00 : f32
        %mul3A_315 = vector.broadcast %mul3A_314 : f32 to vector<16xf32>
        %mul3A_316 = arith.mulf %get3A_313, %mul3A_315 : vector<16xf32>
        %swap3A_317 = arith.constant 1 : i32
        %swap3A_318 = arith.index_cast %swap3A_317 : i32 to index
        %swap3A_319 = arith.index_cast %scan3A_259 : i32 to index
        %swap3A_320 = arith.constant 48 : index
        %swap3A_321 = tpu.vector_load %arg7[%swap3A_318, %swap3A_319, %swap3A_320] {strides = array<i32>} : memref<2x200x64xf32, #tpu.memory_space<vmem>>, vector<1x1x16xf32>,
        %swap3A_322 = vector.shape_cast %swap3A_321 : vector<1x1x16xf32> to vector<16xf32>
        %swap3A_323 = vector.shape_cast %mul3A_316 : vector<16xf32> to vector<1x1x16xf32>
        tpu.vector_store %arg7[%swap3A_318, %swap3A_319, %swap3A_320], %swap3A_323 {strides = array<i32>} : memref<2x200x64xf32, #tpu.memory_space<vmem>>, vector<1x1x16xf32>,
        %scan3A_324 = arith.constant 2 : i32
        %scan3A_325 = arith.addi %scan3A_195, %scan3A_324 : i32
        %get3A_326 = arith.constant 1 : i32
        %get3A_327 = arith.index_cast %get3A_326 : i32 to index
        %get3A_328 = arith.index_cast %scan3A_325 : i32 to index
        %get3A_329 = arith.constant 0 : index
        %get3A_330 = tpu.vector_load %arg6[%get3A_327, %get3A_328, %get3A_329] {strides = array<i32>} : memref<2x200x128xf32, #tpu.memory_space<vmem>>, vector<1x1x16xf32>,
        %get3A_331 = vector.shape_cast %get3A_330 : vector<1x1x16xf32> to vector<16xf32>
        %mul3A_332 = arith.constant 8.000000e+00 : f32
        %mul3A_333 = vector.broadcast %mul3A_332 : f32 to vector<16xf32>
        %mul3A_334 = arith.mulf %get3A_331, %mul3A_333 : vector<16xf32>
        %swap3A_335 = arith.constant 1 : i32
        %swap3A_336 = arith.index_cast %swap3A_335 : i32 to index
        %swap3A_337 = arith.index_cast %scan3A_325 : i32 to index
        %swap3A_338 = arith.constant 0 : index
        %swap3A_339 = tpu.vector_load %arg7[%swap3A_336, %swap3A_337, %swap3A_338] {strides = array<i32>} : memref<2x200x64xf32, #tpu.memory_space<vmem>>, vector<1x1x16xf32>,
        %swap3A_340 = vector.shape_cast %swap3A_339 : vector<1x1x16xf32> to vector<16xf32>
        %swap3A_341 = vector.shape_cast %mul3A_334 : vector<16xf32> to vector<1x1x16xf32>
        tpu.vector_store %arg7[%swap3A_336, %swap3A_337, %swap3A_338], %swap3A_341 {strides = array<i32>} : memref<2x200x64xf32, #tpu.memory_space<vmem>>, vector<1x1x16xf32>,
        %get3A_342 = arith.constant 1 : i32
        %get3A_343 = arith.index_cast %get3A_342 : i32 to index
        %get3A_344 = arith.index_cast %scan3A_325 : i32 to index
        %get3A_345 = arith.constant 16 : index
        %get3A_346 = tpu.vector_load %arg6[%get3A_343, %get3A_344, %get3A_345] {strides = array<i32>} : memref<2x200x128xf32, #tpu.memory_space<vmem>>, vector<1x1x16xf32>,
        %get3A_347 = vector.shape_cast %get3A_346 : vector<1x1x16xf32> to vector<16xf32>
        %mul3A_348 = arith.constant 8.000000e+00 : f32
        %mul3A_349 = vector.broadcast %mul3A_348 : f32 to vector<16xf32>
        %mul3A_350 = arith.mulf %get3A_347, %mul3A_349 : vector<16xf32>
        %swap3A_351 = arith.constant 1 : i32
        %swap3A_352 = arith.index_cast %swap3A_351 : i32 to index
        %swap3A_353 = arith.index_cast %scan3A_325 : i32 to index
        %swap3A_354 = arith.constant 16 : index
        %swap3A_355 = tpu.vector_load %arg7[%swap3A_352, %swap3A_353, %swap3A_354] {strides = array<i32>} : memref<2x200x64xf32, #tpu.memory_space<vmem>>, vector<1x1x16xf32>,
        %swap3A_356 = vector.shape_cast %swap3A_355 : vector<1x1x16xf32> to vector<16xf32>
        %swap3A_357 = vector.shape_cast %mul3A_350 : vector<16xf32> to vector<1x1x16xf32>
        tpu.vector_store %arg7[%swap3A_352, %swap3A_353, %swap3A_354], %swap3A_357 {strides = array<i32>} : memref<2x200x64xf32, #tpu.memory_space<vmem>>, vector<1x1x16xf32>,
        %get3A_358 = arith.constant 1 : i32
        %get3A_359 = arith.index_cast %get3A_358 : i32 to index
        %get3A_360 = arith.index_cast %scan3A_325 : i32 to index
        %get3A_361 = arith.constant 32 : index
        %get3A_362 = tpu.vector_load %arg6[%get3A_359, %get3A_360, %get3A_361] {strides = array<i32>} : memref<2x200x128xf32, #tpu.memory_space<vmem>>, vector<1x1x16xf32>,
        %get3A_363 = vector.shape_cast %get3A_362 : vector<1x1x16xf32> to vector<16xf32>
        %mul3A_364 = arith.constant 8.000000e+00 : f32
        %mul3A_365 = vector.broadcast %mul3A_364 : f32 to vector<16xf32>
        %mul3A_366 = arith.mulf %get3A_363, %mul3A_365 : vector<16xf32>
        %swap3A_367 = arith.constant 1 : i32
        %swap3A_368 = arith.index_cast %swap3A_367 : i32 to index
        %swap3A_369 = arith.index_cast %scan3A_325 : i32 to index
        %swap3A_370 = arith.constant 32 : index
        %swap3A_371 = tpu.vector_load %arg7[%swap3A_368, %swap3A_369, %swap3A_370] {strides = array<i32>} : memref<2x200x64xf32, #tpu.memory_space<vmem>>, vector<1x1x16xf32>,
        %swap3A_372 = vector.shape_cast %swap3A_371 : vector<1x1x16xf32> to vector<16xf32>
        %swap3A_373 = vector.shape_cast %mul3A_366 : vector<16xf32> to vector<1x1x16xf32>
        tpu.vector_store %arg7[%swap3A_368, %swap3A_369, %swap3A_370], %swap3A_373 {strides = array<i32>} : memref<2x200x64xf32, #tpu.memory_space<vmem>>, vector<1x1x16xf32>,
        %get3A_374 = arith.constant 1 : i32
        %get3A_375 = arith.index_cast %get3A_374 : i32 to index
        %get3A_376 = arith.index_cast %scan3A_325 : i32 to index
        %get3A_377 = arith.constant 48 : index
        %get3A_378 = tpu.vector_load %arg6[%get3A_375, %get3A_376, %get3A_377] {strides = array<i32>} : memref<2x200x128xf32, #tpu.memory_space<vmem>>, vector<1x1x16xf32>,
        %get3A_379 = vector.shape_cast %get3A_378 : vector<1x1x16xf32> to vector<16xf32>
        %mul3A_380 = arith.constant 8.000000e+00 : f32
        %mul3A_381 = vector.broadcast %mul3A_380 : f32 to vector<16xf32>
        %mul3A_382 = arith.mulf %get3A_379, %mul3A_381 : vector<16xf32>
        %swap3A_383 = arith.constant 1 : i32
        %swap3A_384 = arith.index_cast %swap3A_383 : i32 to index
        %swap3A_385 = arith.index_cast %scan3A_325 : i32 to index
        %swap3A_386 = arith.constant 48 : index
        %swap3A_387 = tpu.vector_load %arg7[%swap3A_384, %swap3A_385, %swap3A_386] {strides = array<i32>} : memref<2x200x64xf32, #tpu.memory_space<vmem>>, vector<1x1x16xf32>,
        %swap3A_388 = vector.shape_cast %swap3A_387 : vector<1x1x16xf32> to vector<16xf32>
        %swap3A_389 = vector.shape_cast %mul3A_382 : vector<16xf32> to vector<1x1x16xf32>
        tpu.vector_store %arg7[%swap3A_384, %swap3A_385, %swap3A_386], %swap3A_389 {strides = array<i32>} : memref<2x200x64xf32, #tpu.memory_space<vmem>>, vector<1x1x16xf32>,
        %scan3A_390 = arith.constant 3 : i32
        %scan3A_391 = arith.addi %scan3A_195, %scan3A_390 : i32
        %get3A_392 = arith.constant 1 : i32
        %get3A_393 = arith.index_cast %get3A_392 : i32 to index
        %get3A_394 = arith.index_cast %scan3A_391 : i32 to index
        %get3A_395 = arith.constant 0 : index
        %get3A_396 = tpu.vector_load %arg6[%get3A_393, %get3A_394, %get3A_395] {strides = array<i32>} : memref<2x200x128xf32, #tpu.memory_space<vmem>>, vector<1x1x16xf32>,
        %get3A_397 = vector.shape_cast %get3A_396 : vector<1x1x16xf32> to vector<16xf32>
        %mul3A_398 = arith.constant 8.000000e+00 : f32
        %mul3A_399 = vector.broadcast %mul3A_398 : f32 to vector<16xf32>
        %mul3A_400 = arith.mulf %get3A_397, %mul3A_399 : vector<16xf32>
        %swap3A_401 = arith.constant 1 : i32
        %swap3A_402 = arith.index_cast %swap3A_401 : i32 to index
        %swap3A_403 = arith.index_cast %scan3A_391 : i32 to index
        %swap3A_404 = arith.constant 0 : index
        %swap3A_405 = tpu.vector_load %arg7[%swap3A_402, %swap3A_403, %swap3A_404] {strides = array<i32>} : memref<2x200x64xf32, #tpu.memory_space<vmem>>, vector<1x1x16xf32>,
        %swap3A_406 = vector.shape_cast %swap3A_405 : vector<1x1x16xf32> to vector<16xf32>
        %swap3A_407 = vector.shape_cast %mul3A_400 : vector<16xf32> to vector<1x1x16xf32>
        tpu.vector_store %arg7[%swap3A_402, %swap3A_403, %swap3A_404], %swap3A_407 {strides = array<i32>} : memref<2x200x64xf32, #tpu.memory_space<vmem>>, vector<1x1x16xf32>,
        %get3A_408 = arith.constant 1 : i32
        %get3A_409 = arith.index_cast %get3A_408 : i32 to index
        %get3A_410 = arith.index_cast %scan3A_391 : i32 to index
        %get3A_411 = arith.constant 16 : index
        %get3A_412 = tpu.vector_load %arg6[%get3A_409, %get3A_410, %get3A_411] {strides = array<i32>} : memref<2x200x128xf32, #tpu.memory_space<vmem>>, vector<1x1x16xf32>,
        %get3A_413 = vector.shape_cast %get3A_412 : vector<1x1x16xf32> to vector<16xf32>
        %mul3A_414 = arith.constant 8.000000e+00 : f32
        %mul3A_415 = vector.broadcast %mul3A_414 : f32 to vector<16xf32>
        %mul3A_416 = arith.mulf %get3A_413, %mul3A_415 : vector<16xf32>
        %swap3A_417 = arith.constant 1 : i32
        %swap3A_418 = arith.index_cast %swap3A_417 : i32 to index
        %swap3A_419 = arith.index_cast %scan3A_391 : i32 to index
        %swap3A_420 = arith.constant 16 : index
        %swap3A_421 = tpu.vector_load %arg7[%swap3A_418, %swap3A_419, %swap3A_420] {strides = array<i32>} : memref<2x200x64xf32, #tpu.memory_space<vmem>>, vector<1x1x16xf32>,
        %swap3A_422 = vector.shape_cast %swap3A_421 : vector<1x1x16xf32> to vector<16xf32>
        %swap3A_423 = vector.shape_cast %mul3A_416 : vector<16xf32> to vector<1x1x16xf32>
        tpu.vector_store %arg7[%swap3A_418, %swap3A_419, %swap3A_420], %swap3A_423 {strides = array<i32>} : memref<2x200x64xf32, #tpu.memory_space<vmem>>, vector<1x1x16xf32>,
        %get3A_424 = arith.constant 1 : i32
        %get3A_425 = arith.index_cast %get3A_424 : i32 to index
        %get3A_426 = arith.index_cast %scan3A_391 : i32 to index
        %get3A_427 = arith.constant 32 : index
        %get3A_428 = tpu.vector_load %arg6[%get3A_425, %get3A_426, %get3A_427] {strides = array<i32>} : memref<2x200x128xf32, #tpu.memory_space<vmem>>, vector<1x1x16xf32>,
        %get3A_429 = vector.shape_cast %get3A_428 : vector<1x1x16xf32> to vector<16xf32>
        %mul3A_430 = arith.constant 8.000000e+00 : f32
        %mul3A_431 = vector.broadcast %mul3A_430 : f32 to vector<16xf32>
        %mul3A_432 = arith.mulf %get3A_429, %mul3A_431 : vector<16xf32>
        %swap3A_433 = arith.constant 1 : i32
        %swap3A_434 = arith.index_cast %swap3A_433 : i32 to index
        %swap3A_435 = arith.index_cast %scan3A_391 : i32 to index
        %swap3A_436 = arith.constant 32 : index
        %swap3A_437 = tpu.vector_load %arg7[%swap3A_434, %swap3A_435, %swap3A_436] {strides = array<i32>} : memref<2x200x64xf32, #tpu.memory_space<vmem>>, vector<1x1x16xf32>,
        %swap3A_438 = vector.shape_cast %swap3A_437 : vector<1x1x16xf32> to vector<16xf32>
        %swap3A_439 = vector.shape_cast %mul3A_432 : vector<16xf32> to vector<1x1x16xf32>
        tpu.vector_store %arg7[%swap3A_434, %swap3A_435, %swap3A_436], %swap3A_439 {strides = array<i32>} : memref<2x200x64xf32, #tpu.memory_space<vmem>>, vector<1x1x16xf32>,
        %get3A_440 = arith.constant 1 : i32
        %get3A_441 = arith.index_cast %get3A_440 : i32 to index
        %get3A_442 = arith.index_cast %scan3A_391 : i32 to index
        %get3A_443 = arith.constant 48 : index
        %get3A_444 = tpu.vector_load %arg6[%get3A_441, %get3A_442, %get3A_443] {strides = array<i32>} : memref<2x200x128xf32, #tpu.memory_space<vmem>>, vector<1x1x16xf32>,
        %get3A_445 = vector.shape_cast %get3A_444 : vector<1x1x16xf32> to vector<16xf32>
        %mul3A_446 = arith.constant 8.000000e+00 : f32
        %mul3A_447 = vector.broadcast %mul3A_446 : f32 to vector<16xf32>
        %mul3A_448 = arith.mulf %get3A_445, %mul3A_447 : vector<16xf32>
        %swap3A_449 = arith.constant 1 : i32
        %swap3A_450 = arith.index_cast %swap3A_449 : i32 to index
        %swap3A_451 = arith.index_cast %scan3A_391 : i32 to index
        %swap3A_452 = arith.constant 48 : index
        %swap3A_453 = tpu.vector_load %arg7[%swap3A_450, %swap3A_451, %swap3A_452] {strides = array<i32>} : memref<2x200x64xf32, #tpu.memory_space<vmem>>, vector<1x1x16xf32>,
        %swap3A_454 = vector.shape_cast %swap3A_453 : vector<1x1x16xf32> to vector<16xf32>
        %swap3A_455 = vector.shape_cast %mul3A_448 : vector<16xf32> to vector<1x1x16xf32>
        tpu.vector_store %arg7[%swap3A_450, %swap3A_451, %swap3A_452], %swap3A_455 {strides = array<i32>} : memref<2x200x64xf32, #tpu.memory_space<vmem>>, vector<1x1x16xf32>,
        %scan3A_456 = arith.constant 4 : i32
        %scan3A_457 = arith.addi %scan3A_195, %scan3A_456 : i32
        %get3A_458 = arith.constant 1 : i32
        %get3A_459 = arith.index_cast %get3A_458 : i32 to index
        %get3A_460 = arith.index_cast %scan3A_457 : i32 to index
        %get3A_461 = arith.constant 0 : index
        %get3A_462 = tpu.vector_load %arg6[%get3A_459, %get3A_460, %get3A_461] {strides = array<i32>} : memref<2x200x128xf32, #tpu.memory_space<vmem>>, vector<1x1x16xf32>,
        %get3A_463 = vector.shape_cast %get3A_462 : vector<1x1x16xf32> to vector<16xf32>
        %mul3A_464 = arith.constant 8.000000e+00 : f32
        %mul3A_465 = vector.broadcast %mul3A_464 : f32 to vector<16xf32>
        %mul3A_466 = arith.mulf %get3A_463, %mul3A_465 : vector<16xf32>
        %swap3A_467 = arith.constant 1 : i32
        %swap3A_468 = arith.index_cast %swap3A_467 : i32 to index
        %swap3A_469 = arith.index_cast %scan3A_457 : i32 to index
        %swap3A_470 = arith.constant 0 : index
        %swap3A_471 = tpu.vector_load %arg7[%swap3A_468, %swap3A_469, %swap3A_470] {strides = array<i32>} : memref<2x200x64xf32, #tpu.memory_space<vmem>>, vector<1x1x16xf32>,
        %swap3A_472 = vector.shape_cast %swap3A_471 : vector<1x1x16xf32> to vector<16xf32>
        %swap3A_473 = vector.shape_cast %mul3A_466 : vector<16xf32> to vector<1x1x16xf32>
        tpu.vector_store %arg7[%swap3A_468, %swap3A_469, %swap3A_470], %swap3A_473 {strides = array<i32>} : memref<2x200x64xf32, #tpu.memory_space<vmem>>, vector<1x1x16xf32>,
        %get3A_474 = arith.constant 1 : i32
        %get3A_475 = arith.index_cast %get3A_474 : i32 to index
        %get3A_476 = arith.index_cast %scan3A_457 : i32 to index
        %get3A_477 = arith.constant 16 : index
        %get3A_478 = tpu.vector_load %arg6[%get3A_475, %get3A_476, %get3A_477] {strides = array<i32>} : memref<2x200x128xf32, #tpu.memory_space<vmem>>, vector<1x1x16xf32>,
        %get3A_479 = vector.shape_cast %get3A_478 : vector<1x1x16xf32> to vector<16xf32>
        %mul3A_480 = arith.constant 8.000000e+00 : f32
        %mul3A_481 = vector.broadcast %mul3A_480 : f32 to vector<16xf32>
        %mul3A_482 = arith.mulf %get3A_479, %mul3A_481 : vector<16xf32>
        %swap3A_483 = arith.constant 1 : i32
        %swap3A_484 = arith.index_cast %swap3A_483 : i32 to index
        %swap3A_485 = arith.index_cast %scan3A_457 : i32 to index
        %swap3A_486 = arith.constant 16 : index
        %swap3A_487 = tpu.vector_load %arg7[%swap3A_484, %swap3A_485, %swap3A_486] {strides = array<i32>} : memref<2x200x64xf32, #tpu.memory_space<vmem>>, vector<1x1x16xf32>,
        %swap3A_488 = vector.shape_cast %swap3A_487 : vector<1x1x16xf32> to vector<16xf32>
        %swap3A_489 = vector.shape_cast %mul3A_482 : vector<16xf32> to vector<1x1x16xf32>
        tpu.vector_store %arg7[%swap3A_484, %swap3A_485, %swap3A_486], %swap3A_489 {strides = array<i32>} : memref<2x200x64xf32, #tpu.memory_space<vmem>>, vector<1x1x16xf32>,
        %get3A_490 = arith.constant 1 : i32
        %get3A_491 = arith.index_cast %get3A_490 : i32 to index
        %get3A_492 = arith.index_cast %scan3A_457 : i32 to index
        %get3A_493 = arith.constant 32 : index
        %get3A_494 = tpu.vector_load %arg6[%get3A_491, %get3A_492, %get3A_493] {strides = array<i32>} : memref<2x200x128xf32, #tpu.memory_space<vmem>>, vector<1x1x16xf32>,
        %get3A_495 = vector.shape_cast %get3A_494 : vector<1x1x16xf32> to vector<16xf32>
        %mul3A_496 = arith.constant 8.000000e+00 : f32
        %mul3A_497 = vector.broadcast %mul3A_496 : f32 to vector<16xf32>
        %mul3A_498 = arith.mulf %get3A_495, %mul3A_497 : vector<16xf32>
        %swap3A_499 = arith.constant 1 : i32
        %swap3A_500 = arith.index_cast %swap3A_499 : i32 to index
        %swap3A_501 = arith.index_cast %scan3A_457 : i32 to index
        %swap3A_502 = arith.constant 32 : index
        %swap3A_503 = tpu.vector_load %arg7[%swap3A_500, %swap3A_501, %swap3A_502] {strides = array<i32>} : memref<2x200x64xf32, #tpu.memory_space<vmem>>, vector<1x1x16xf32>,
        %swap3A_504 = vector.shape_cast %swap3A_503 : vector<1x1x16xf32> to vector<16xf32>
        %swap3A_505 = vector.shape_cast %mul3A_498 : vector<16xf32> to vector<1x1x16xf32>
        tpu.vector_store %arg7[%swap3A_500, %swap3A_501, %swap3A_502], %swap3A_505 {strides = array<i32>} : memref<2x200x64xf32, #tpu.memory_space<vmem>>, vector<1x1x16xf32>,
        %get3A_506 = arith.constant 1 : i32
        %get3A_507 = arith.index_cast %get3A_506 : i32 to index
        %get3A_508 = arith.index_cast %scan3A_457 : i32 to index
        %get3A_509 = arith.constant 48 : index
        %get3A_510 = tpu.vector_load %arg6[%get3A_507, %get3A_508, %get3A_509] {strides = array<i32>} : memref<2x200x128xf32, #tpu.memory_space<vmem>>, vector<1x1x16xf32>,
        %get3A_511 = vector.shape_cast %get3A_510 : vector<1x1x16xf32> to vector<16xf32>
        %mul3A_512 = arith.constant 8.000000e+00 : f32
        %mul3A_513 = vector.broadcast %mul3A_512 : f32 to vector<16xf32>
        %mul3A_514 = arith.mulf %get3A_511, %mul3A_513 : vector<16xf32>
        %swap3A_515 = arith.constant 1 : i32
        %swap3A_516 = arith.index_cast %swap3A_515 : i32 to index
        %swap3A_517 = arith.index_cast %scan3A_457 : i32 to index
        %swap3A_518 = arith.constant 48 : index
        %swap3A_519 = tpu.vector_load %arg7[%swap3A_516, %swap3A_517, %swap3A_518] {strides = array<i32>} : memref<2x200x64xf32, #tpu.memory_space<vmem>>, vector<1x1x16xf32>,
        %swap3A_520 = vector.shape_cast %swap3A_519 : vector<1x1x16xf32> to vector<16xf32>
        %swap3A_521 = vector.shape_cast %mul3A_514 : vector<16xf32> to vector<1x1x16xf32>
        tpu.vector_store %arg7[%swap3A_516, %swap3A_517, %swap3A_518], %swap3A_521 {strides = array<i32>} : memref<2x200x64xf32, #tpu.memory_space<vmem>>, vector<1x1x16xf32>,
        %scan3A_522 = arith.constant 5 : i32
        %scan3A_523 = arith.addi %scan3A_195, %scan3A_522 : i32
        %get3A_524 = arith.constant 1 : i32
        %get3A_525 = arith.index_cast %get3A_524 : i32 to index
        %get3A_526 = arith.index_cast %scan3A_523 : i32 to index
        %get3A_527 = arith.constant 0 : index
        %get3A_528 = tpu.vector_load %arg6[%get3A_525, %get3A_526, %get3A_527] {strides = array<i32>} : memref<2x200x128xf32, #tpu.memory_space<vmem>>, vector<1x1x16xf32>,
        %get3A_529 = vector.shape_cast %get3A_528 : vector<1x1x16xf32> to vector<16xf32>
        %mul3A_530 = arith.constant 8.000000e+00 : f32
        %mul3A_531 = vector.broadcast %mul3A_530 : f32 to vector<16xf32>
        %mul3A_532 = arith.mulf %get3A_529, %mul3A_531 : vector<16xf32>
        %swap3A_533 = arith.constant 1 : i32
        %swap3A_534 = arith.index_cast %swap3A_533 : i32 to index
        %swap3A_535 = arith.index_cast %scan3A_523 : i32 to index
        %swap3A_536 = arith.constant 0 : index
        %swap3A_537 = tpu.vector_load %arg7[%swap3A_534, %swap3A_535, %swap3A_536] {strides = array<i32>} : memref<2x200x64xf32, #tpu.memory_space<vmem>>, vector<1x1x16xf32>,
        %swap3A_538 = vector.shape_cast %swap3A_537 : vector<1x1x16xf32> to vector<16xf32>
        %swap3A_539 = vector.shape_cast %mul3A_532 : vector<16xf32> to vector<1x1x16xf32>
        tpu.vector_store %arg7[%swap3A_534, %swap3A_535, %swap3A_536], %swap3A_539 {strides = array<i32>} : memref<2x200x64xf32, #tpu.memory_space<vmem>>, vector<1x1x16xf32>,
        %get3A_540 = arith.constant 1 : i32
        %get3A_541 = arith.index_cast %get3A_540 : i32 to index
        %get3A_542 = arith.index_cast %scan3A_523 : i32 to index
        %get3A_543 = arith.constant 16 : index
        %get3A_544 = tpu.vector_load %arg6[%get3A_541, %get3A_542, %get3A_543] {strides = array<i32>} : memref<2x200x128xf32, #tpu.memory_space<vmem>>, vector<1x1x16xf32>,
        %get3A_545 = vector.shape_cast %get3A_544 : vector<1x1x16xf32> to vector<16xf32>
        %mul3A_546 = arith.constant 8.000000e+00 : f32
        %mul3A_547 = vector.broadcast %mul3A_546 : f32 to vector<16xf32>
        %mul3A_548 = arith.mulf %get3A_545, %mul3A_547 : vector<16xf32>
        %swap3A_549 = arith.constant 1 : i32
        %swap3A_550 = arith.index_cast %swap3A_549 : i32 to index
        %swap3A_551 = arith.index_cast %scan3A_523 : i32 to index
        %swap3A_552 = arith.constant 16 : index
        %swap3A_553 = tpu.vector_load %arg7[%swap3A_550, %swap3A_551, %swap3A_552] {strides = array<i32>} : memref<2x200x64xf32, #tpu.memory_space<vmem>>, vector<1x1x16xf32>,
        %swap3A_554 = vector.shape_cast %swap3A_553 : vector<1x1x16xf32> to vector<16xf32>
        %swap3A_555 = vector.shape_cast %mul3A_548 : vector<16xf32> to vector<1x1x16xf32>
        tpu.vector_store %arg7[%swap3A_550, %swap3A_551, %swap3A_552], %swap3A_555 {strides = array<i32>} : memref<2x200x64xf32, #tpu.memory_space<vmem>>, vector<1x1x16xf32>,
        %get3A_556 = arith.constant 1 : i32
        %get3A_557 = arith.index_cast %get3A_556 : i32 to index
        %get3A_558 = arith.index_cast %scan3A_523 : i32 to index
        %get3A_559 = arith.constant 32 : index
        %get3A_560 = tpu.vector_load %arg6[%get3A_557, %get3A_558, %get3A_559] {strides = array<i32>} : memref<2x200x128xf32, #tpu.memory_space<vmem>>, vector<1x1x16xf32>,
        %get3A_561 = vector.shape_cast %get3A_560 : vector<1x1x16xf32> to vector<16xf32>
        %mul3A_562 = arith.constant 8.000000e+00 : f32
        %mul3A_563 = vector.broadcast %mul3A_562 : f32 to vector<16xf32>
        %mul3A_564 = arith.mulf %get3A_561, %mul3A_563 : vector<16xf32>
        %swap3A_565 = arith.constant 1 : i32
        %swap3A_566 = arith.index_cast %swap3A_565 : i32 to index
        %swap3A_567 = arith.index_cast %scan3A_523 : i32 to index
        %swap3A_568 = arith.constant 32 : index
        %swap3A_569 = tpu.vector_load %arg7[%swap3A_566, %swap3A_567, %swap3A_568] {strides = array<i32>} : memref<2x200x64xf32, #tpu.memory_space<vmem>>, vector<1x1x16xf32>,
        %swap3A_570 = vector.shape_cast %swap3A_569 : vector<1x1x16xf32> to vector<16xf32>
        %swap3A_571 = vector.shape_cast %mul3A_564 : vector<16xf32> to vector<1x1x16xf32>
        tpu.vector_store %arg7[%swap3A_566, %swap3A_567, %swap3A_568], %swap3A_571 {strides = array<i32>} : memref<2x200x64xf32, #tpu.memory_space<vmem>>, vector<1x1x16xf32>,
        %get3A_572 = arith.constant 1 : i32
        %get3A_573 = arith.index_cast %get3A_572 : i32 to index
        %get3A_574 = arith.index_cast %scan3A_523 : i32 to index
        %get3A_575 = arith.constant 48 : index
        %get3A_576 = tpu.vector_load %arg6[%get3A_573, %get3A_574, %get3A_575] {strides = array<i32>} : memref<2x200x128xf32, #tpu.memory_space<vmem>>, vector<1x1x16xf32>,
        %get3A_577 = vector.shape_cast %get3A_576 : vector<1x1x16xf32> to vector<16xf32>
        %mul3A_578 = arith.constant 8.000000e+00 : f32
        %mul3A_579 = vector.broadcast %mul3A_578 : f32 to vector<16xf32>
        %mul3A_580 = arith.mulf %get3A_577, %mul3A_579 : vector<16xf32>
        %swap3A_581 = arith.constant 1 : i32
        %swap3A_582 = arith.index_cast %swap3A_581 : i32 to index
        %swap3A_583 = arith.index_cast %scan3A_523 : i32 to index
        %swap3A_584 = arith.constant 48 : index
        %swap3A_585 = tpu.vector_load %arg7[%swap3A_582, %swap3A_583, %swap3A_584] {strides = array<i32>} : memref<2x200x64xf32, #tpu.memory_space<vmem>>, vector<1x1x16xf32>,
        %swap3A_586 = vector.shape_cast %swap3A_585 : vector<1x1x16xf32> to vector<16xf32>
        %swap3A_587 = vector.shape_cast %mul3A_580 : vector<16xf32> to vector<1x1x16xf32>
        tpu.vector_store %arg7[%swap3A_582, %swap3A_583, %swap3A_584], %swap3A_587 {strides = array<i32>} : memref<2x200x64xf32, #tpu.memory_space<vmem>>, vector<1x1x16xf32>,
        %scan3A_588 = arith.constant 6 : i32
        %scan3A_589 = arith.addi %scan3A_195, %scan3A_588 : i32
        %get3A_590 = arith.constant 1 : i32
        %get3A_591 = arith.index_cast %get3A_590 : i32 to index
        %get3A_592 = arith.index_cast %scan3A_589 : i32 to index
        %get3A_593 = arith.constant 0 : index
        %get3A_594 = tpu.vector_load %arg6[%get3A_591, %get3A_592, %get3A_593] {strides = array<i32>} : memref<2x200x128xf32, #tpu.memory_space<vmem>>, vector<1x1x16xf32>,
        %get3A_595 = vector.shape_cast %get3A_594 : vector<1x1x16xf32> to vector<16xf32>
        %mul3A_596 = arith.constant 8.000000e+00 : f32
        %mul3A_597 = vector.broadcast %mul3A_596 : f32 to vector<16xf32>
        %mul3A_598 = arith.mulf %get3A_595, %mul3A_597 : vector<16xf32>
        %swap3A_599 = arith.constant 1 : i32
        %swap3A_600 = arith.index_cast %swap3A_599 : i32 to index
        %swap3A_601 = arith.index_cast %scan3A_589 : i32 to index
        %swap3A_602 = arith.constant 0 : index
        %swap3A_603 = tpu.vector_load %arg7[%swap3A_600, %swap3A_601, %swap3A_602] {strides = array<i32>} : memref<2x200x64xf32, #tpu.memory_space<vmem>>, vector<1x1x16xf32>,
        %swap3A_604 = vector.shape_cast %swap3A_603 : vector<1x1x16xf32> to vector<16xf32>
        %swap3A_605 = vector.shape_cast %mul3A_598 : vector<16xf32> to vector<1x1x16xf32>
        tpu.vector_store %arg7[%swap3A_600, %swap3A_601, %swap3A_602], %swap3A_605 {strides = array<i32>} : memref<2x200x64xf32, #tpu.memory_space<vmem>>, vector<1x1x16xf32>,
        %get3A_606 = arith.constant 1 : i32
        %get3A_607 = arith.index_cast %get3A_606 : i32 to index
        %get3A_608 = arith.index_cast %scan3A_589 : i32 to index
        %get3A_609 = arith.constant 16 : index
        %get3A_610 = tpu.vector_load %arg6[%get3A_607, %get3A_608, %get3A_609] {strides = array<i32>} : memref<2x200x128xf32, #tpu.memory_space<vmem>>, vector<1x1x16xf32>,
        %get3A_611 = vector.shape_cast %get3A_610 : vector<1x1x16xf32> to vector<16xf32>
        %mul3A_612 = arith.constant 8.000000e+00 : f32
        %mul3A_613 = vector.broadcast %mul3A_612 : f32 to vector<16xf32>
        %mul3A_614 = arith.mulf %get3A_611, %mul3A_613 : vector<16xf32>
        %swap3A_615 = arith.constant 1 : i32
        %swap3A_616 = arith.index_cast %swap3A_615 : i32 to index
        %swap3A_617 = arith.index_cast %scan3A_589 : i32 to index
        %swap3A_618 = arith.constant 16 : index
        %swap3A_619 = tpu.vector_load %arg7[%swap3A_616, %swap3A_617, %swap3A_618] {strides = array<i32>} : memref<2x200x64xf32, #tpu.memory_space<vmem>>, vector<1x1x16xf32>,
        %swap3A_620 = vector.shape_cast %swap3A_619 : vector<1x1x16xf32> to vector<16xf32>
        %swap3A_621 = vector.shape_cast %mul3A_614 : vector<16xf32> to vector<1x1x16xf32>
        tpu.vector_store %arg7[%swap3A_616, %swap3A_617, %swap3A_618], %swap3A_621 {strides = array<i32>} : memref<2x200x64xf32, #tpu.memory_space<vmem>>, vector<1x1x16xf32>,
        %get3A_622 = arith.constant 1 : i32
        %get3A_623 = arith.index_cast %get3A_622 : i32 to index
        %get3A_624 = arith.index_cast %scan3A_589 : i32 to index
        %get3A_625 = arith.constant 32 : index
        %get3A_626 = tpu.vector_load %arg6[%get3A_623, %get3A_624, %get3A_625] {strides = array<i32>} : memref<2x200x128xf32, #tpu.memory_space<vmem>>, vector<1x1x16xf32>,
        %get3A_627 = vector.shape_cast %get3A_626 : vector<1x1x16xf32> to vector<16xf32>
        %mul3A_628 = arith.constant 8.000000e+00 : f32
        %mul3A_629 = vector.broadcast %mul3A_628 : f32 to vector<16xf32>
        %mul3A_630 = arith.mulf %get3A_627, %mul3A_629 : vector<16xf32>
        %swap3A_631 = arith.constant 1 : i32
        %swap3A_632 = arith.index_cast %swap3A_631 : i32 to index
        %swap3A_633 = arith.index_cast %scan3A_589 : i32 to index
        %swap3A_634 = arith.constant 32 : index
        %swap3A_635 = tpu.vector_load %arg7[%swap3A_632, %swap3A_633, %swap3A_634] {strides = array<i32>} : memref<2x200x64xf32, #tpu.memory_space<vmem>>, vector<1x1x16xf32>,
        %swap3A_636 = vector.shape_cast %swap3A_635 : vector<1x1x16xf32> to vector<16xf32>
        %swap3A_637 = vector.shape_cast %mul3A_630 : vector<16xf32> to vector<1x1x16xf32>
        tpu.vector_store %arg7[%swap3A_632, %swap3A_633, %swap3A_634], %swap3A_637 {strides = array<i32>} : memref<2x200x64xf32, #tpu.memory_space<vmem>>, vector<1x1x16xf32>,
        %get3A_638 = arith.constant 1 : i32
        %get3A_639 = arith.index_cast %get3A_638 : i32 to index
        %get3A_640 = arith.index_cast %scan3A_589 : i32 to index
        %get3A_641 = arith.constant 48 : index
        %get3A_642 = tpu.vector_load %arg6[%get3A_639, %get3A_640, %get3A_641] {strides = array<i32>} : memref<2x200x128xf32, #tpu.memory_space<vmem>>, vector<1x1x16xf32>,
        %get3A_643 = vector.shape_cast %get3A_642 : vector<1x1x16xf32> to vector<16xf32>
        %mul3A_644 = arith.constant 8.000000e+00 : f32
        %mul3A_645 = vector.broadcast %mul3A_644 : f32 to vector<16xf32>
        %mul3A_646 = arith.mulf %get3A_643, %mul3A_645 : vector<16xf32>
        %swap3A_647 = arith.constant 1 : i32
        %swap3A_648 = arith.index_cast %swap3A_647 : i32 to index
        %swap3A_649 = arith.index_cast %scan3A_589 : i32 to index
        %swap3A_650 = arith.constant 48 : index
        %swap3A_651 = tpu.vector_load %arg7[%swap3A_648, %swap3A_649, %swap3A_650] {strides = array<i32>} : memref<2x200x64xf32, #tpu.memory_space<vmem>>, vector<1x1x16xf32>,
        %swap3A_652 = vector.shape_cast %swap3A_651 : vector<1x1x16xf32> to vector<16xf32>
        %swap3A_653 = vector.shape_cast %mul3A_646 : vector<16xf32> to vector<1x1x16xf32>
        tpu.vector_store %arg7[%swap3A_648, %swap3A_649, %swap3A_650], %swap3A_653 {strides = array<i32>} : memref<2x200x64xf32, #tpu.memory_space<vmem>>, vector<1x1x16xf32>,
        %scan3A_654 = arith.constant 7 : i32
        %scan3A_655 = arith.addi %scan3A_195, %scan3A_654 : i32
        %get3A_656 = arith.constant 1 : i32
        %get3A_657 = arith.index_cast %get3A_656 : i32 to index
        %get3A_658 = arith.index_cast %scan3A_655 : i32 to index
        %get3A_659 = arith.constant 0 : index
        %get3A_660 = tpu.vector_load %arg6[%get3A_657, %get3A_658, %get3A_659] {strides = array<i32>} : memref<2x200x128xf32, #tpu.memory_space<vmem>>, vector<1x1x16xf32>,
        %get3A_661 = vector.shape_cast %get3A_660 : vector<1x1x16xf32> to vector<16xf32>
        %mul3A_662 = arith.constant 8.000000e+00 : f32
        %mul3A_663 = vector.broadcast %mul3A_662 : f32 to vector<16xf32>
        %mul3A_664 = arith.mulf %get3A_661, %mul3A_663 : vector<16xf32>
        %swap3A_665 = arith.constant 1 : i32
        %swap3A_666 = arith.index_cast %swap3A_665 : i32 to index
        %swap3A_667 = arith.index_cast %scan3A_655 : i32 to index
        %swap3A_668 = arith.constant 0 : index
        %swap3A_669 = tpu.vector_load %arg7[%swap3A_666, %swap3A_667, %swap3A_668] {strides = array<i32>} : memref<2x200x64xf32, #tpu.memory_space<vmem>>, vector<1x1x16xf32>,
        %swap3A_670 = vector.shape_cast %swap3A_669 : vector<1x1x16xf32> to vector<16xf32>
        %swap3A_671 = vector.shape_cast %mul3A_664 : vector<16xf32> to vector<1x1x16xf32>
        tpu.vector_store %arg7[%swap3A_666, %swap3A_667, %swap3A_668], %swap3A_671 {strides = array<i32>} : memref<2x200x64xf32, #tpu.memory_space<vmem>>, vector<1x1x16xf32>,
        %get3A_672 = arith.constant 1 : i32
        %get3A_673 = arith.index_cast %get3A_672 : i32 to index
        %get3A_674 = arith.index_cast %scan3A_655 : i32 to index
        %get3A_675 = arith.constant 16 : index
        %get3A_676 = tpu.vector_load %arg6[%get3A_673, %get3A_674, %get3A_675] {strides = array<i32>} : memref<2x200x128xf32, #tpu.memory_space<vmem>>, vector<1x1x16xf32>,
        %get3A_677 = vector.shape_cast %get3A_676 : vector<1x1x16xf32> to vector<16xf32>
        %mul3A_678 = arith.constant 8.000000e+00 : f32
        %mul3A_679 = vector.broadcast %mul3A_678 : f32 to vector<16xf32>
        %mul3A_680 = arith.mulf %get3A_677, %mul3A_679 : vector<16xf32>
        %swap3A_681 = arith.constant 1 : i32
        %swap3A_682 = arith.index_cast %swap3A_681 : i32 to index
        %swap3A_683 = arith.index_cast %scan3A_655 : i32 to index
        %swap3A_684 = arith.constant 16 : index
        %swap3A_685 = tpu.vector_load %arg7[%swap3A_682, %swap3A_683, %swap3A_684] {strides = array<i32>} : memref<2x200x64xf32, #tpu.memory_space<vmem>>, vector<1x1x16xf32>,
        %swap3A_686 = vector.shape_cast %swap3A_685 : vector<1x1x16xf32> to vector<16xf32>
        %swap3A_687 = vector.shape_cast %mul3A_680 : vector<16xf32> to vector<1x1x16xf32>
        tpu.vector_store %arg7[%swap3A_682, %swap3A_683, %swap3A_684], %swap3A_687 {strides = array<i32>} : memref<2x200x64xf32, #tpu.memory_space<vmem>>, vector<1x1x16xf32>,
        %get3A_688 = arith.constant 1 : i32
        %get3A_689 = arith.index_cast %get3A_688 : i32 to index
        %get3A_690 = arith.index_cast %scan3A_655 : i32 to index
        %get3A_691 = arith.constant 32 : index
        %get3A_692 = tpu.vector_load %arg6[%get3A_689, %get3A_690, %get3A_691] {strides = array<i32>} : memref<2x200x128xf32, #tpu.memory_space<vmem>>, vector<1x1x16xf32>,
        %get3A_693 = vector.shape_cast %get3A_692 : vector<1x1x16xf32> to vector<16xf32>
        %mul3A_694 = arith.constant 8.000000e+00 : f32
        %mul3A_695 = vector.broadcast %mul3A_694 : f32 to vector<16xf32>
        %mul3A_696 = arith.mulf %get3A_693, %mul3A_695 : vector<16xf32>
        %swap3A_697 = arith.constant 1 : i32
        %swap3A_698 = arith.index_cast %swap3A_697 : i32 to index
        %swap3A_699 = arith.index_cast %scan3A_655 : i32 to index
        %swap3A_700 = arith.constant 32 : index
        %swap3A_701 = tpu.vector_load %arg7[%swap3A_698, %swap3A_699, %swap3A_700] {strides = array<i32>} : memref<2x200x64xf32, #tpu.memory_space<vmem>>, vector<1x1x16xf32>,
        %swap3A_702 = vector.shape_cast %swap3A_701 : vector<1x1x16xf32> to vector<16xf32>
        %swap3A_703 = vector.shape_cast %mul3A_696 : vector<16xf32> to vector<1x1x16xf32>
        tpu.vector_store %arg7[%swap3A_698, %swap3A_699, %swap3A_700], %swap3A_703 {strides = array<i32>} : memref<2x200x64xf32, #tpu.memory_space<vmem>>, vector<1x1x16xf32>,
        %get3A_704 = arith.constant 1 : i32
        %get3A_705 = arith.index_cast %get3A_704 : i32 to index
        %get3A_706 = arith.index_cast %scan3A_655 : i32 to index
        %get3A_707 = arith.constant 48 : index
        %get3A_708 = tpu.vector_load %arg6[%get3A_705, %get3A_706, %get3A_707] {strides = array<i32>} : memref<2x200x128xf32, #tpu.memory_space<vmem>>, vector<1x1x16xf32>,
        %get3A_709 = vector.shape_cast %get3A_708 : vector<1x1x16xf32> to vector<16xf32>
        %mul3A_710 = arith.constant 8.000000e+00 : f32
        %mul3A_711 = vector.broadcast %mul3A_710 : f32 to vector<16xf32>
        %mul3A_712 = arith.mulf %get3A_709, %mul3A_711 : vector<16xf32>
        %swap3A_713 = arith.constant 1 : i32
        %swap3A_714 = arith.index_cast %swap3A_713 : i32 to index
        %swap3A_715 = arith.index_cast %scan3A_655 : i32 to index
        %swap3A_716 = arith.constant 48 : index
        %swap3A_717 = tpu.vector_load %arg7[%swap3A_714, %swap3A_715, %swap3A_716] {strides = array<i32>} : memref<2x200x64xf32, #tpu.memory_space<vmem>>, vector<1x1x16xf32>,
        %swap3A_718 = vector.shape_cast %swap3A_717 : vector<1x1x16xf32> to vector<16xf32>
        %swap3A_719 = vector.shape_cast %mul3A_712 : vector<16xf32> to vector<1x1x16xf32>
        tpu.vector_store %arg7[%swap3A_714, %swap3A_715, %swap3A_716], %swap3A_719 {strides = array<i32>} : memref<2x200x64xf32, #tpu.memory_space<vmem>>, vector<1x1x16xf32>,
      }
      %scan3A_180 = arith.constant 200 : i32
      %dma_start3A_181 = arith.constant 1 : i32
      %dma_start3A_182 = arith.constant 0 : i32
      %dma_start3A_183 = arith.constant 0 : i32
      %dma_start3A_184 = tpu.memref_slice %arg7[%dma_start3A_181, %dma_start3A_182, %dma_start3A_183] : memref<2x200x64xf32, #tpu.memory_space<vmem>> -> memref<1x200x64xf32, #tpu.memory_space<vmem>>
      %dma_start3A_185 = arith.constant 0 : i32
      %dma_start3A_186 = arith.constant 0 : i32
      %dma_start3A_187 = tpu.memref_slice %arg4[%add3A_67, %dma_start3A_185, %dma_start3A_186] : memref<4096x200x64xf32, #tpu.memory_space<hbm>> -> memref<1x200x64xf32, #tpu.memory_space<hbm>>
      %dma_start3A_188 = arith.constant 0 : i32
      %dma_start3A_189 = arith.constant 0 : i32
      %dma_start3A_190 = tpu.memref_slice %arg4[%add3A_67, %dma_start3A_188, %dma_start3A_189] : memref<4096x200x64xf32, #tpu.memory_space<hbm>> -> memref<1x200x64xf32, #tpu.memory_space<hbm>>
      %dma_start3A_191 = arith.constant 1 : i32
      %dma_start3A_192 = arith.constant 0 : i32
      %dma_start3A_193 = arith.constant 0 : i32
      %dma_start3A_194 = tpu.memref_slice %arg7[%dma_start3A_191, %dma_start3A_192, %dma_start3A_193] : memref<2x200x64xf32, #tpu.memory_space<vmem>> -> memref<1x200x64xf32, #tpu.memory_space<vmem>>
      tpu.enqueue_dma source(%dma_start3A_194 : memref<1x200x64xf32, #tpu.memory_space<vmem>>) target(%dma_start3A_190 : memref<1x200x64xf32, #tpu.memory_space<hbm>>) target_semaphore(%arg11 : memref<!tpu.dma_semaphore, #tpu.memory_space<semaphore_mem>>)
    }
    %scan3A_34 = arith.constant 64 : i32
    %dma_wait3A = arith.constant 0 : i32
    %dma_wait3A_35 = arith.constant 0 : i32
    %dma_wait3A_36 = arith.constant 0 : i32
    %dma_wait3A_37 = tpu.memref_slice %arg7[%dma_wait3A, %dma_wait3A_35, %dma_wait3A_36] : memref<2x200x64xf32, #tpu.memory_space<vmem>> -> memref<1x200x64xf32, #tpu.memory_space<vmem>>
    %dma_wait3A_38 = arith.constant 0 : i32
    %dma_wait3A_39 = arith.constant 0 : i32
    %dma_wait3A_40 = tpu.memref_slice %arg4[%multiple_of3A, %dma_wait3A_38, %dma_wait3A_39] : memref<4096x200x64xf32, #tpu.memory_space<hbm>> -> memref<1x200x64xf32, #tpu.memory_space<hbm>>
    %dma_wait3A_41 = arith.constant 0 : i32
    %dma_wait3A_42 = arith.constant 0 : i32
    %dma_wait3A_43 = tpu.memref_slice %arg4[%multiple_of3A, %dma_wait3A_41, %dma_wait3A_42] : memref<4096x200x64xf32, #tpu.memory_space<hbm>> -> memref<1x200x64xf32, #tpu.memory_space<hbm>>
    %dma_wait3A_44 = arith.constant 0 : i32
    %dma_wait3A_45 = arith.constant 0 : i32
    %dma_wait3A_46 = arith.constant 0 : i32
    %dma_wait3A_47 = tpu.memref_slice %arg7[%dma_wait3A_44, %dma_wait3A_45, %dma_wait3A_46] : memref<2x200x64xf32, #tpu.memory_space<vmem>> -> memref<1x200x64xf32, #tpu.memory_space<vmem>>
    tpu.wait_dma2 semaphore(%arg10 : memref<!tpu.dma_semaphore, #tpu.memory_space<semaphore_mem>>) src(%dma_wait3A_47 : memref<1x200x64xf32, #tpu.memory_space<vmem>>) dst(%dma_wait3A_43 : memref<1x200x64xf32, #tpu.memory_space<hbm>>)
    %dma_wait3A_48 = arith.constant 1 : i32
    %dma_wait3A_49 = arith.constant 0 : i32
    %dma_wait3A_50 = arith.constant 0 : i32
    %dma_wait3A_51 = tpu.memref_slice %arg7[%dma_wait3A_48, %dma_wait3A_49, %dma_wait3A_50] : memref<2x200x64xf32, #tpu.memory_space<vmem>> -> memref<1x200x64xf32, #tpu.memory_space<vmem>>
    %dma_wait3A_52 = arith.constant 0 : i32
    %dma_wait3A_53 = arith.constant 0 : i32
    %dma_wait3A_54 = tpu.memref_slice %arg4[%multiple_of3A, %dma_wait3A_52, %dma_wait3A_53] : memref<4096x200x64xf32, #tpu.memory_space<hbm>> -> memref<1x200x64xf32, #tpu.memory_space<hbm>>
    %dma_wait3A_55 = arith.constant 0 : i32
    %dma_wait3A_56 = arith.constant 0 : i32
    %dma_wait3A_57 = tpu.memref_slice %arg4[%multiple_of3A, %dma_wait3A_55, %dma_wait3A_56] : memref<4096x200x64xf32, #tpu.memory_space<hbm>> -> memref<1x200x64xf32, #tpu.memory_space<hbm>>
    %dma_wait3A_58 = arith.constant 1 : i32
    %dma_wait3A_59 = arith.constant 0 : i32
    %dma_wait3A_60 = arith.constant 0 : i32
    %dma_wait3A_61 = tpu.memref_slice %arg7[%dma_wait3A_58, %dma_wait3A_59, %dma_wait3A_60] : memref<2x200x64xf32, #tpu.memory_space<vmem>> -> memref<1x200x64xf32, #tpu.memory_space<vmem>>
    tpu.wait_dma2 semaphore(%arg11 : memref<!tpu.dma_semaphore, #tpu.memory_space<semaphore_mem>>) src(%dma_wait3A_61 : memref<1x200x64xf32, #tpu.memory_space<vmem>>) dst(%dma_wait3A_57 : memref<1x200x64xf32, #tpu.memory_space<hbm>>)
    return
  }
}

</mosaic_0001>

<sc_bundles>
// kernel: kernel.3.cloned.1.call-start
scs
__scs_entry_jumppad:
0x0: {  	(pc) =	sbr.rel $0x88, $3  }
0x1: {  	(tag) =	ssettag $0x0;
	lr =	simm.s32 $0x1  }
0x2: {  	[smem:$0x3F9F] =	sst lr;
	_ =	strace $0xD0000000  }
0x3: {  	_ = 	snop  }
0x4: {  	_ = 	snop  }
0x5: {  	_ = 	snop  }
0x6: {  	_ = 	snop  }
0x7: {  	_ = 	snop  }
__scs_overlays_trampoline_lowered:
0x8: {  	[smem:$0x3FAE] =	sst s0  }
0x9: {  	[smem:$0x3FAF] =	sst s1  }
0xa: {  	[smem:$0x3FB0] =	sst s2  }
0xb: {  	[smem:$0x3FB1] =	sst s3  }
0xc: {  	[smem:$0x3FB2] =	sst s4  }
0xd: {  	[smem:$0x3FB3] =	sst s5  }
0xe: {  	[smem:$0x3FB4] =	sst s6  }
0xf: {  	[smem:$0x3FB5] =	sst s7  }
0x10: {  	[smem:$0x3FB6] =	sst s8  }
0x11: {  	[smem:$0x3FB7] =	sst s9;
	s0 =	simm.s32 @!p0 $0x0  }
0x12: {  	s1 =	sld [smem:$0x3F9D];
	s0 =	simm.s32 @p0 $0x1  }
0x13: {  	[smem:$0x3FB8] =	sst s0;
	s0 =	simm.s32 @!p1 $0x0  }
0x14: {  	s2 =	sld [smem:$0x3F9C];
	s0 =	simm.s32 @p1 $0x1  }
0x15: {  	[smem:$0x3FB9] =	sst s0;
	s0 =	simm.s32 @!p2 $0x0  }
0x16: {  	s3 =	sld [smem:$0x3FDB];
	s0 =	simm.s32 @p2 $0x1  }
0x17: {  	s4 =	simm.s32 $0x1BF5;
	[smem:$0x3FBB] =	sst s0  }
0x18: {  	s0 =	sld [smem:$0x3F9E];
	_ =	swait.ge [sflag:s4], $0x0  }
0x19: {  	s7 =	sld [smem:$0x3F9F]  }
0x1a: {  	s8 =	sadd.s32 $0xFFFFE003, lr  }
0x1b: {  	s9 =	sadd.s32 $0xFFFFFEF7, lr;
	s5 =	simm.s32 $0xFFFFFFFF;
	p2 =	slt.u32 s8, $0xFFFFF086  }
0x1c: {  	p1 =	slt.u32 s9, $0xF7A;
	s5 =	simm.s32 @!p2 $0x0  }
0x1d: {  	s5 =	simm.s32 @p1 $0x1;
	p0 =	seq.s32 s7, s2  }
0x1e: {  	s7 =	smul.u32 @!p0 $0xF7A, s2;
	p2 =	seq.s32 @!p0 s5, $0x0  }
0x1f: {  	s9 =	smul.u32 $0xF7A, s1;
	s8 =	simm.s32 @!p0 $0x1BF5;
	p2 =	por !p2, p0  }
0x20: {  	[sflag:s8] =	ssyncset.s32 @!p0 $0xFFFFF086;
	s6 =	sadd.s32 @!p0 s3, s7;
	s7 =	simm.s32 @!p0 $0x108  }
0x21: {  	s3 =	sadd.s32 s3, s9;
	s6 =	sadd.s32 @!p0 $0x88, s6;
	s7 =	simm.s32 @p2 $0x1082  }
0x22: {  	[simem:s7], [sflag:s8] =	dma.local @!p0 [hbm:s6], $0xF7A  }
0x23: {  	s9 =	sor.u32 $0xD0000000, s2;
	s6 =	simm.s32 $0x108;
	_ =	swait.ge @!p0 [sflag:s8], $0x0  }
0x24: {  	s3 =	sadd.s32 $0x88, s3;
	s6 =	simm.s32 @!p1 $0x1082;
	[sflag:s4] =	ssyncset.s32 $0xFFFFF086  }
0x25: {  	[simem:s6], [sflag:s4] =	dma.local [hbm:s3], $0xF7A  }
0x26: {  	[smem:$0x3F9F] =	sst s1;
	(tag) =	ssettag s2;
	_ =	strace s9  }
0x27: {  	s1 =	sld [smem:$0x3FAF]  }
0x28: {  	s2 =	sld [smem:$0x3FB0]  }
0x29: {  	s4 =	sld [smem:$0x3FB2]  }
0x2a: {  	p0 =	seq.s32 s5, $0x0;
	s5 =	sld [smem:$0x3FB3]  }
0x2b: {  	s6 =	sld [smem:$0x3FB4]  }
0x2c: {  	s7 =	sld [smem:$0x3FB5]  }
0x2d: {  	s3 =	simm.s32 $0x108;
	s8 =	sld [smem:$0x3FB6]  }
0x2e: {  	s3 =	simm.s32 @!p0 $0x1082;
	s9 =	sld [smem:$0x3FB7]  }
0x2f: {  	lr =	sadd.s32 s0, s3;
	s0 =	sld [smem:$0x3FAE]  }
0x30: {  	s3 =	sld [smem:$0x3FB1]  }
0x31: {  	[smem:$0x3FBA] =	sst s10  }
0x32: {  	s10 =	sld [smem:$0x3FB8];
	_ =	sdelay $0x3  }
0x33: {  	p0 =	seq.s32 s10, $0x1;
	s10 =	sld [smem:$0x3FBA];
	_ =	sdelay $0x3  }
0x34: {  	[smem:$0x3FBA] =	sst s10  }
0x35: {  	s10 =	sld [smem:$0x3FB9];
	_ =	sdelay $0x3  }
0x36: {  	p1 =	seq.s32 s10, $0x1;
	s10 =	sld [smem:$0x3FBA];
	_ =	sdelay $0x3  }
0x37: {  	[smem:$0x3FBA] =	sst s10  }
0x38: {  	s10 =	sld [smem:$0x3FBB]  }
0x39: {  	_ = 	snop;
	(pc) =	sbr.ind lr, $3  }
0x3a: {  	_ = 	snop  }
0x3b: {  	_ = 	snop  }
0x3c: {  	p2 =	seq.s32 s10, $0x1;
	s10 =	sld [smem:$0x3FBA]  }
0x3d: {  	_ =	shalt  }
0x3e: {  	_ =	shalt  }
0x3f: {  	_ =	shalt  }
0x40: {  	_ =	shalt  }
0x41: {  	_ =	shalt  }
0x42: {  	_ =	shalt  }
0x43: {  	_ =	shalt  }
0x44: {  	_ =	shalt  }
0x45: {  	_ =	shalt  }
0x46: {  	_ =	shalt  }
0x47: {  	_ =	shalt  }
0x48: {  	_ =	shalt  }
0x49: {  	_ =	shalt  }
0x4a: {  	_ =	shalt  }
0x4b: {  	_ =	shalt  }
0x4c: {  	_ =	shalt  }
0x4d: {  	_ =	shalt  }
0x4e: {  	_ =	shalt  }
0x4f: {  	_ =	shalt  }
0x50: {  	_ =	shalt  }
0x51: {  	_ =	shalt  }
0x52: {  	_ =	shalt  }
0x53: {  	_ =	shalt  }
0x54: {  	_ =	shalt  }
0x55: {  	_ =	shalt  }
0x56: {  	_ =	shalt  }
0x57: {  	_ =	shalt  }
0x58: {  	_ =	shalt  }
0x59: {  	_ =	shalt  }
0x5a: {  	_ =	shalt  }
0x5b: {  	_ =	shalt  }
0x5c: {  	_ =	shalt  }
0x5d: {  	_ =	shalt  }
0x5e: {  	_ =	shalt  }
0x5f: {  	_ =	shalt  }
0x60: {  	_ =	shalt  }
0x61: {  	_ =	shalt  }
0x62: {  	_ =	shalt  }
0x63: {  	_ =	shalt  }
0x64: {  	_ =	shalt  }
0x65: {  	_ =	shalt  }
0x66: {  	_ =	shalt  }
0x67: {  	_ =	shalt  }
0x68: {  	_ =	shalt  }
0x69: {  	_ =	shalt  }
0x6a: {  	_ =	shalt  }
0x6b: {  	_ =	shalt  }
0x6c: {  	_ =	shalt  }
0x6d: {  	_ =	shalt  }
0x6e: {  	_ =	shalt  }
0x6f: {  	_ =	shalt  }
0x70: {  	_ =	shalt  }
0x71: {  	_ =	shalt  }
0x72: {  	_ =	shalt  }
0x73: {  	_ =	shalt  }
0x74: {  	_ =	shalt  }
0x75: {  	_ =	shalt  }
0x76: {  	_ =	shalt  }
0x77: {  	_ =	shalt  }
0x78: {  	_ =	shalt  }
0x79: {  	_ =	shalt  }
0x7a: {  	_ =	shalt  }
0x7b: {  	_ =	shalt  }
0x7c: {  	_ =	shalt  }
0x7d: {  	_ =	shalt  }
0x7e: {  	_ =	shalt  }
0x7f: {  	_ =	shalt  }
0x80: {  	_ =	shalt  }
0x81: {  	_ =	shalt  }
0x82: {  	_ =	shalt  }
0x83: {  	_ =	shalt  }
0x84: {  	_ =	shalt  }
0x85: {  	_ =	shalt  }
0x86: {  	_ =	shalt  }
0x87: {  	_ =	shalt  }
.Lfunc_end0:
.L_simem_size_0:
called_computation_lowered:
.L_overlay_start_0:
0x88: {  	s2 =	sld [smem:$0x3FD9]  }
0x89: {  	s3 =	sld [smem:$0x3FFE];
	_ =	sdelay $0x1  }
0x8a: {  	s1 =	srdreg.scid  }
0x8b: {  	s0 =	sand.u32 $0x1, s1  }
0x8c: {  	s17 =	sshll.u32 s0, $0xA;
	s2 =	sadd.s32 s3, s2  }
0x8d: {  	s2 =	sadd.s32 s2, s17  }
0x8e: {  	[smem:$0x3FC6] =	sst s2  }
0x8f: {  	_ = 	snop  }
0x90: {  	s2 =	sld [smem:$0x3FD0];
	(tm) =	ssettm $0x1  }
0x91: {  	s18 =	sld [smem:$0x3FFB];
	_ =	sdelay $0x3  }
0x92: {  	_ =	strace s18  }
0x93: {  	s3 =	sld [smem:$0x3FFC];
	_ =	sdelay $0x3  }
0x94: {  	_ =	strace s3  }
0x95: {  	s3 =	sld [smem:$0x3FFD];
	_ =	sdelay $0x3  }
0x96: {  	_ =	strace s3  }
0x97: {  	_ =	strace $0x8FFFFFFF  }
0x98: {  	s19 =	sld [smem:$0x3FDB];
	_ =	sdelay $0x1  }
0x99: {  	s4 =	simm.s32 $_scs_section_size  }
0x9a: {  	s5 =	simm.s32 $_size__tile_overlayer_lowered;
	s6 =	simm.s32 $_tile_overlayer_lowered  }
0x9b: {  	s22 =	simm.s32 $0x1BFF;
	s21 =	sshll.u32 s6, $0x1;
	s3 =	sadd.s32 s4, s19  }
0x9c: {  	s7 =	simm.s32 $0x0;
	s20 =	sshll.u32 s5, $0x1;
	s5 =	sadd.s32 s21, s3  }
0x9d: {  	[timem:s7], [sflag:s22] =	dma.local [hbm:s5], s20  }
0x9e: {  	_ =	swait.ge [sflag:s22], s20  }
0x9f: {  	s4 =	ssub.s32 $0x0, s20;
	[sflag:s22] =	ssyncset.done $0x0  }
0xa0: {  	[sflag:s22] =	ssyncadd.s32 s4;
	_ =	sdelay $0x1  }
0xa1: {  	s23 =	simm.s32 $0x1B8B  }
0xa2: {  	_ =	swait.ge [sflag:s23], $0x1  }
0xa3: {  	[sflag:s23] =	ssyncset.done $0x0  }
0xa4: {  	s25 =	simm.s32 $0x1B8E;
	s24 =	sld [smem:$0x3FFE];
	[sflag:s23] =	ssyncadd.s32 $0xFFFFFFFF  }
0xa5: {  	s26 =	simm.s32 $execute0_lowered;
	[smem:$0x3FD2] =	sst s25  }
0xa6: {  	s5 =	sshll.u32 s26, $0x1;
	_ =	strace $0x80000046;
	[dreg:$0x1] =	wrdreg $0xFFFFFFFF  }
0xa7: {  	s28 =	simm.s32 $_size_execute0_lowered;
	s3 =	sadd.s32 s3, s5;
	[dreg:$0x0] =	wrdreg $0x0  }
0xa8: {  	s5 =	sshll.u32 s28, $0x1;
	[dreg:$0x2] =	wrdreg s3  }
0xa9: {  	[dreg:$0x3] =	wrdreg s5  }
0xaa: {  	[dreg:$0x4] =	wrdreg $0xC0  }
0xab: {  	_ =	task [dreg:s7], $0x5FFFF  }
0xac: {  	[dreg:$0x1] =	wrdreg $0xFFFFFFFF  }
0xad: {  	[dreg:$0x0] =	wrdreg $0x60  }
0xae: {  	[dreg:$0x2] =	wrdreg s2  }
0xaf: {  	[dreg:$0x3] =	wrdreg s24  }
0xb0: {  	[dreg:$0x4] =	wrdreg $0x9  }
0xb1: {  	_ =	task.clear_ibuf [dreg:s7], $0x5FFFF;
	_ =	strace $0x90000046  }
0xb2: {  	s29 =	simm.s32 $0x9;
	_ =	strace $0x80000048  }
0xb3: {  	_ =	swait.ge [sflag:s29], $0x1  }
0xb4: {  	[sflag:s29] =	ssyncadd.s32 $0xFFFFFFFF  }
0xb5: {  	_ =	strace $0x90000048  }
0xb6: {  	_ =	sfence  }
0xb7: {  	s30 =	sld [smem:$0x0];
	_ =	sdelay $0x2  }
0xb8: {  	s31 =	sshll.u32 s1, $0xD;
	s1 =	sshrl.u32 s1, $0x2  }
0xb9: {  	s3 =	sand.u32 $0x4000, s31;
	s1 =	sadd.s32 s1, s30  }
0xba: {  	s0 =	sor.u32 s3, s0;
	s1 =	sshll.u32 s1, $0x11  }
0xbb: {  	s0 =	sor.u32 s1, s0  }
0xbc: {  	s0 =	sadd.s32 $0x8F2B, s0  }
0xbd: {  	[sflag:s0] =	ssyncadd.remote.s32 $0x1  }
0xbe: {  	_ =	sfence.sel $0xFFFF  }
0xbf: {  	[dreg:$0x0] =	wrdreg $0xFFFFFFFF;
	(pc) =	sbr.abs _section_cstart, $3  }
0xc0: {  	[dreg:$0x1] =	wrdreg $0xFFFFFFFF  }
0xc1: {  	_ =	task.clear_ibuf [dreg:s7], $0x2FFFF;
	_ =	strace $0x9FFFFFFF  }
0xc2: {  	(tm) =	ssettm $0x7FFFFFFF  }
0xc3: {  	_ =	shalt  }
tec
execute0_lowered:
.L_overlay_start_1:
0x0: {  	(tag) =	ssettag $0x1  }
0x1: {  	s1 =	rddreg [dreg:$0x0]  }
0x2: {  	s0 =	rddreg [dreg:$0x1];
	s4 =	srdreg.scid  }
0x3: {  	s3 =	simm.s32 $0x0;
	s2 =	stileid.u32;
	s10 =	simm.s32 $0x5  }
0x4: {  	s11 =	simm.s32 $0x64;
	s12 =	simm.s32 $0x200;
	s13 =	simm.s32 $0x80  }
0x5: {  	s14 =	simm.s32 $0x3400;
	s15 =	simm.s32 $0x100;
	s16 =	simm.s32 $0x6600  }
0x6: {  	s17 =	simm.s32 $0x180;
	s18 =	simm.s32 $0x9800;
	s19 =	simm.s32 $0x1  }
0x7: {  	s20 =	simm.s32 $0xCA00;
	s21 =	simm.s32 $0x2;
	s22 =	simm.s32 $0x12E00  }
0x8: {  	s23 =	simm.s32 $0x3;
	s24 =	simm.s32 $0x4;
	s25 =	simm.s32 $0x0  }
0x9: {  	s4 =	sand.u32 $0x1, s4;
	[smem:$0x7FF] =	sst s3;
	s5 =	sshll.u32 s2, $0x8  }
0xa: {  	s6 =	sshll.u32 s4, $0x7;
	_ =	strace $0x80000047;
	s7 =	ssub.s32 $0x2, s4  }
0xb: {  	s4 =	sor.u32 s6, s5;
	s5 =	sadd.s32 $0xF42A00, s0;
	s8 =	sshrl.u32 s7, $0x1  }
0xc: {  	s6 =	sadd.s32 $0x600, s0;
	s9 =	sshll.u32 s4, $0x5;
	s31 =	ssub.s32 s7, s8  }
0xd: {  	s8 =	sor.u32 $0x2, s4;
	s7 =	sadd.s32 s1, s9;
	s9 =	smax.u32 s31, $0x1  }
.LBB2_1:
0xe: {  	[tilespmem:s3], [sflag:$0x5] =	stream.linear.gather [hbm4b:s7+s3], $0x100, $0x38;
	[tilespmem:$0x19200] =	vst v63  }
0xf: {  	_ =	swait.ge [sflag:s10], $0x100  }
0x10: {  	[sflag:s10] =	ssyncset.done $0x0  }
0x11: {  	[sflag:s10] =	ssyncadd.s32 $0xFFFFFF00  }
0x12: {  	[tilespmem:s12], [sflag:$0x1] =	stream.indirect.gather [hbm4b:s5+s11], $0x80, s3, s11, $0xb8;
	[tilespmem:$0x19200] =	vst v63  }
0x13: {  	s26 =	simm.s32 $0x0  }
0x14: {  	[tilespmem:s14], [sflag:$0x1] =	stream.indirect.gather [hbm4b:s5+s11], $0x80, s13, s11, $0xb8;
	[tilespmem:$0x19200] =	vst v63  }
.LBB2_2:
0x15: {  	s29 =	sshll.u32 s26, $0x1;
	p0 =	seq.s32 s26, $0x0  }
0x16: {  	s0 =	simm.s32 @!p0 $0x4;
	s28 =	sadd.s32 s29, s4  }
0x17: {  	_ =	swait.ge @!p0 [sflag:s0], $0x6400;
	s28 =	sshll.u32 s28, $0x5  }
0x18: {  	[sflag:s0] =	ssyncset.done @!p0 $0x0;
	s28 =	sadd.s32 s1, s28  }
0x19: {  	[sflag:s0] =	ssyncadd.s32 @!p0 $0xFFFF9C00;
	s0 =	sadd.s32 $0x20, s28  }
0x1a: {  	[tilespmem:s15], [sflag:$0x5] =	stream.linear.gather [hbm4b:s0+s3], $0x100, $0x38;
	[tilespmem:$0x19200] =	vst v63  }
0x1b: {  	_ =	swait.ge [sflag:s10], $0x100  }
0x1c: {  	[sflag:s10] =	ssyncset.done $0x0  }
0x1d: {  	[sflag:s10] =	ssyncadd.s32 $0xFFFFFF00  }
0x1e: {  	[tilespmem:s16], [sflag:$0x2] =	stream.indirect.gather [hbm4b:s5+s11], $0x80, s15, s11, $0xb8;
	[tilespmem:$0x19200] =	vst v63  }
0x1f: {  	_ = 	snop  }
0x20: {  	[tilespmem:s18], [sflag:$0x2] =	stream.indirect.gather [hbm4b:s5+s11], $0x80, s17, s11, $0xb8;
	[tilespmem:$0x19200] =	vst v63  }
0x21: {  	_ =	swait.ge [sflag:s19], $0x3200  }
0x22: {  	[sflag:s19] =	ssyncset.done $0x0  }
0x23: {  	[sflag:s19] =	ssyncadd.s32 $0xFFFFCE00  }
0x24: {  	_ =	swait.ge [sflag:s19], $0x3200  }
0x25: {  	[sflag:s19] =	ssyncset.done $0x0  }
0x26: {  	s0 =	simm.s32 $0x400;
	[sflag:s19] =	ssyncadd.s32 $0xFFFFCE00  }
0x27: {  	v0 =	vld [tilespmem:s0+$0xFFFFFE00];
	_ =	sdelay $0x4  }
0x28: {  	v0 =	vmul.f32 $8.000000000e+00, v0  }
0x29: {  	s30 =	simm.s32 $0xCC00  }
0x2a: {  	[tilespmem:s30+$0xFFFFFE00] =	vst v0  }
0x2b: {  	v0 =	vld [tilespmem:s0+$0xFFFFFE10];
	_ =	sdelay $0x4  }
0x2c: {  	v0 =	vmul.f32 $8.000000000e+00, v0;
	_ =	sdelay $0x1  }
0x2d: {  	[tilespmem:s30+$0xFFFFFE10] =	vst v0  }
0x2e: {  	v0 =	vld [tilespmem:s0+$0xFFFFFE20];
	_ =	sdelay $0x4  }
0x2f: {  	v0 =	vmul.f32 $8.000000000e+00, v0;
	_ =	sdelay $0x1  }
0x30: {  	[tilespmem:s30+$0xFFFFFE20] =	vst v0  }
0x31: {  	v0 =	vld [tilespmem:s0+$0xFFFFFE30];
	_ =	sdelay $0x4  }
0x32: {  	v0 =	vmul.f32 $8.000000000e+00, v0;
	_ =	sdelay $0x1  }
0x33: {  	[tilespmem:s30+$0xFFFFFE30] =	vst v0  }
0x34: {  	v0 =	vld [tilespmem:s0+$0xFFFFFE80];
	_ =	sdelay $0x4  }
0x35: {  	v0 =	vmul.f32 $8.000000000e+00, v0;
	_ =	sdelay $0x1  }
0x36: {  	[tilespmem:s30+$0xFFFFFE80] =	vst v0  }
0x37: {  	v0 =	vld [tilespmem:s0+$0xFFFFFE90];
	_ =	sdelay $0x4  }
0x38: {  	v0 =	vmul.f32 $8.000000000e+00, v0;
	_ =	sdelay $0x1  }
0x39: {  	[tilespmem:s30+$0xFFFFFE90] =	vst v0  }
0x3a: {  	v0 =	vld [tilespmem:s0+$0xFFFFFEA0];
	_ =	sdelay $0x4  }
0x3b: {  	v0 =	vmul.f32 $8.000000000e+00, v0;
	_ =	sdelay $0x1  }
0x3c: {  	[tilespmem:s30+$0xFFFFFEA0] =	vst v0  }
0x3d: {  	v0 =	vld [tilespmem:s0+$0xFFFFFEB0];
	_ =	sdelay $0x4  }
0x3e: {  	v0 =	vmul.f32 $8.000000000e+00, v0;
	_ =	sdelay $0x1  }
0x3f: {  	[tilespmem:s30+$0xFFFFFEB0] =	vst v0  }
0x40: {  	v0 =	vld [tilespmem:s0+$0xFFFFFF00];
	_ =	sdelay $0x4  }
0x41: {  	v0 =	vmul.f32 $8.000000000e+00, v0;
	_ =	sdelay $0x1  }
0x42: {  	[tilespmem:s30+$0xFFFFFF00] =	vst v0  }
0x43: {  	v0 =	vld [tilespmem:s0+$0xFFFFFF10];
	_ =	sdelay $0x4  }
0x44: {  	v0 =	vmul.f32 $8.000000000e+00, v0;
	_ =	sdelay $0x1  }
0x45: {  	[tilespmem:s30+$0xFFFFFF10] =	vst v0  }
0x46: {  	v0 =	vld [tilespmem:s0+$0xFFFFFF20];
	_ =	sdelay $0x4  }
0x47: {  	v0 =	vmul.f32 $8.000000000e+00, v0;
	_ =	sdelay $0x1  }
0x48: {  	[tilespmem:s30+$0xFFFFFF20] =	vst v0  }
0x49: {  	v0 =	vld [tilespmem:s0+$0xFFFFFF30];
	_ =	sdelay $0x4  }
0x4a: {  	v0 =	vmul.f32 $8.000000000e+00, v0;
	_ =	sdelay $0x1  }
0x4b: {  	[tilespmem:s30+$0xFFFFFF30] =	vst v0  }
0x4c: {  	v0 =	vld [tilespmem:s0+$0xFFFFFF80];
	_ =	sdelay $0x4  }
0x4d: {  	v0 =	vmul.f32 $8.000000000e+00, v0;
	_ =	sdelay $0x1  }
0x4e: {  	[tilespmem:s30+$0xFFFFFF80] =	vst v0  }
0x4f: {  	v0 =	vld [tilespmem:s0+$0xFFFFFF90];
	_ =	sdelay $0x4  }
0x50: {  	v0 =	vmul.f32 $8.000000000e+00, v0;
	_ =	sdelay $0x1  }
0x51: {  	[tilespmem:s30+$0xFFFFFF90] =	vst v0  }
0x52: {  	v0 =	vld [tilespmem:s0+$0xFFFFFFA0];
	_ =	sdelay $0x4  }
0x53: {  	v0 =	vmul.f32 $8.000000000e+00, v0;
	_ =	sdelay $0x1  }
0x54: {  	[tilespmem:s30+$0xFFFFFFA0] =	vst v0  }
0x55: {  	v0 =	vld [tilespmem:s0+$0xFFFFFFB0];
	_ =	sdelay $0x4  }
0x56: {  	v0 =	vmul.f32 $8.000000000e+00, v0;
	_ =	sdelay $0x1  }
0x57: {  	[tilespmem:s30+$0xFFFFFFB0] =	vst v0  }
0x58: {  	v0 =	vld [tilespmem:s0+$0x0];
	_ =	sdelay $0x4  }
0x59: {  	v0 =	vmul.f32 $8.000000000e+00, v0;
	_ =	sdelay $0x1  }
0x5a: {  	[tilespmem:s30+$0x0] =	vst v0  }
0x5b: {  	v0 =	vld [tilespmem:s0+$0x10];
	_ =	sdelay $0x4  }
0x5c: {  	v0 =	vmul.f32 $8.000000000e+00, v0;
	_ =	sdelay $0x1  }
0x5d: {  	[tilespmem:s30+$0x10] =	vst v0  }
0x5e: {  	v0 =	vld [tilespmem:s0+$0x20];
	_ =	sdelay $0x4  }
0x5f: {  	v0 =	vmul.f32 $8.000000000e+00, v0;
	_ =	sdelay $0x1  }
0x60: {  	[tilespmem:s30+$0x20] =	vst v0  }
0x61: {  	v0 =	vld [tilespmem:s0+$0x30];
	_ =	sdelay $0x4  }
0x62: {  	v0 =	vmul.f32 $8.000000000e+00, v0;
	_ =	sdelay $0x1  }
0x63: {  	[tilespmem:s30+$0x30] =	vst v0  }
0x64: {  	v0 =	vld [tilespmem:s0+$0x80];
	_ =	sdelay $0x4  }
0x65: {  	v0 =	vmul.f32 $8.000000000e+00, v0;
	_ =	sdelay $0x1  }
0x66: {  	[tilespmem:s30+$0x80] =	vst v0  }
0x67: {  	v0 =	vld [tilespmem:s0+$0x90];
	_ =	sdelay $0x4  }
0x68: {  	v0 =	vmul.f32 $8.000000000e+00, v0;
	_ =	sdelay $0x1  }
0x69: {  	[tilespmem:s30+$0x90] =	vst v0  }
0x6a: {  	v0 =	vld [tilespmem:s0+$0xA0];
	_ =	sdelay $0x4  }
0x6b: {  	v0 =	vmul.f32 $8.000000000e+00, v0;
	_ =	sdelay $0x1  }
0x6c: {  	[tilespmem:s30+$0xA0] =	vst v0  }
0x6d: {  	v0 =	vld [tilespmem:s0+$0xB0];
	_ =	sdelay $0x4  }
0x6e: {  	v0 =	vmul.f32 $8.000000000e+00, v0;
	_ =	sdelay $0x1  }
0x6f: {  	[tilespmem:s30+$0xB0] =	vst v0  }
0x70: {  	v0 =	vld [tilespmem:s0+$0x100];
	_ =	sdelay $0x4  }
0x71: {  	v0 =	vmul.f32 $8.000000000e+00, v0;
	_ =	sdelay $0x1  }
0x72: {  	[tilespmem:s30+$0x100] =	vst v0  }
0x73: {  	v0 =	vld [tilespmem:s0+$0x110];
	_ =	sdelay $0x4  }
0x74: {  	v0 =	vmul.f32 $8.000000000e+00, v0;
	_ =	sdelay $0x1  }
0x75: {  	[tilespmem:s30+$0x110] =	vst v0  }
0x76: {  	v0 =	vld [tilespmem:s0+$0x120];
	_ =	sdelay $0x4  }
0x77: {  	v0 =	vmul.f32 $8.000000000e+00, v0;
	_ =	sdelay $0x1  }
0x78: {  	[tilespmem:s30+$0x120] =	vst v0  }
0x79: {  	v0 =	vld [tilespmem:s0+$0x130];
	_ =	sdelay $0x4  }
0x7a: {  	v0 =	vmul.f32 $8.000000000e+00, v0;
	_ =	sdelay $0x1  }
0x7b: {  	[tilespmem:s30+$0x130] =	vst v0  }
0x7c: {  	v0 =	vld [tilespmem:s0+$0x180];
	_ =	sdelay $0x4  }
0x7d: {  	v0 =	vmul.f32 $8.000000000e+00, v0;
	_ =	sdelay $0x1  }
0x7e: {  	[tilespmem:s30+$0x180] =	vst v0  }
0x7f: {  	v0 =	vld [tilespmem:s0+$0x190];
	_ =	sdelay $0x4  }
0x80: {  	v0 =	vmul.f32 $8.000000000e+00, v0;
	_ =	sdelay $0x1  }
0x81: {  	[tilespmem:s30+$0x190] =	vst v0  }
0x82: {  	v0 =	vld [tilespmem:s0+$0x1A0];
	_ =	sdelay $0x4  }
0x83: {  	v0 =	vmul.f32 $8.000000000e+00, v0;
	_ =	sdelay $0x1  }
0x84: {  	[tilespmem:s30+$0x1A0] =	vst v0  }
0x85: {  	v0 =	vld [tilespmem:s0+$0x1B0];
	_ =	sdelay $0x4  }
0x86: {  	v0 =	vmul.f32 $8.000000000e+00, v0;
	_ =	sdelay $0x1  }
0x87: {  	s31 =	simm.s32 $0x0;
	s28 =	sor.u32 s4, s29;
	s0 =	simm.s32 $0x800;
	[tilespmem:s30+$0x1B0] =	vst v0  }
.LBB2_3:
0x88: {  	v0 =	vld [tilespmem:s0+$0xFFFFFE00];
	s31 =	sadd.s32 $0x8, s31  }
0x89: {  	p0 =	slt.u32 s31, $0xC0;
	_ =	sdelay $0x3  }
0x8a: {  	v0 =	vmul.f32 $8.000000000e+00, v0  }
0x8b: {  	s30 =	sadd.s32 $0x400, s30  }
0x8c: {  	[tilespmem:s30+$0xFFFFFE00] =	vst v0  }
0x8d: {  	v0 =	vld [tilespmem:s0+$0xFFFFFE10];
	_ =	sdelay $0x4  }
0x8e: {  	v0 =	vmul.f32 $8.000000000e+00, v0;
	_ =	sdelay $0x1  }
0x8f: {  	[tilespmem:s30+$0xFFFFFE10] =	vst v0  }
0x90: {  	v0 =	vld [tilespmem:s0+$0xFFFFFE20];
	_ =	sdelay $0x4  }
0x91: {  	v0 =	vmul.f32 $8.000000000e+00, v0;
	_ =	sdelay $0x1  }
0x92: {  	[tilespmem:s30+$0xFFFFFE20] =	vst v0  }
0x93: {  	v0 =	vld [tilespmem:s0+$0xFFFFFE30];
	_ =	sdelay $0x4  }
0x94: {  	v0 =	vmul.f32 $8.000000000e+00, v0;
	_ =	sdelay $0x1  }
0x95: {  	[tilespmem:s30+$0xFFFFFE30] =	vst v0  }
0x96: {  	v0 =	vld [tilespmem:s0+$0xFFFFFE80];
	_ =	sdelay $0x4  }
0x97: {  	v0 =	vmul.f32 $8.000000000e+00, v0;
	_ =	sdelay $0x1  }
0x98: {  	[tilespmem:s30+$0xFFFFFE80] =	vst v0  }
0x99: {  	v0 =	vld [tilespmem:s0+$0xFFFFFE90];
	_ =	sdelay $0x4  }
0x9a: {  	v0 =	vmul.f32 $8.000000000e+00, v0;
	_ =	sdelay $0x1  }
0x9b: {  	[tilespmem:s30+$0xFFFFFE90] =	vst v0  }
0x9c: {  	v0 =	vld [tilespmem:s0+$0xFFFFFEA0];
	_ =	sdelay $0x4  }
0x9d: {  	v0 =	vmul.f32 $8.000000000e+00, v0;
	_ =	sdelay $0x1  }
0x9e: {  	[tilespmem:s30+$0xFFFFFEA0] =	vst v0  }
0x9f: {  	v0 =	vld [tilespmem:s0+$0xFFFFFEB0];
	_ =	sdelay $0x4  }
0xa0: {  	v0 =	vmul.f32 $8.000000000e+00, v0;
	_ =	sdelay $0x1  }
0xa1: {  	[tilespmem:s30+$0xFFFFFEB0] =	vst v0  }
0xa2: {  	v0 =	vld [tilespmem:s0+$0xFFFFFF00];
	_ =	sdelay $0x4  }
0xa3: {  	v0 =	vmul.f32 $8.000000000e+00, v0;
	_ =	sdelay $0x1  }
0xa4: {  	[tilespmem:s30+$0xFFFFFF00] =	vst v0  }
0xa5: {  	v0 =	vld [tilespmem:s0+$0xFFFFFF10];
	_ =	sdelay $0x4  }
0xa6: {  	v0 =	vmul.f32 $8.000000000e+00, v0;
	_ =	sdelay $0x1  }
0xa7: {  	[tilespmem:s30+$0xFFFFFF10] =	vst v0  }
0xa8: {  	v0 =	vld [tilespmem:s0+$0xFFFFFF20];
	_ =	sdelay $0x4  }
0xa9: {  	v0 =	vmul.f32 $8.000000000e+00, v0;
	_ =	sdelay $0x1  }
0xaa: {  	[tilespmem:s30+$0xFFFFFF20] =	vst v0  }
0xab: {  	v0 =	vld [tilespmem:s0+$0xFFFFFF30];
	_ =	sdelay $0x4  }
0xac: {  	v0 =	vmul.f32 $8.000000000e+00, v0;
	_ =	sdelay $0x1  }
0xad: {  	[tilespmem:s30+$0xFFFFFF30] =	vst v0  }
0xae: {  	v0 =	vld [tilespmem:s0+$0xFFFFFF80];
	_ =	sdelay $0x4  }
0xaf: {  	v0 =	vmul.f32 $8.000000000e+00, v0;
	_ =	sdelay $0x1  }
0xb0: {  	[tilespmem:s30+$0xFFFFFF80] =	vst v0  }
0xb1: {  	v0 =	vld [tilespmem:s0+$0xFFFFFF90];
	_ =	sdelay $0x4  }
0xb2: {  	v0 =	vmul.f32 $8.000000000e+00, v0;
	_ =	sdelay $0x1  }
0xb3: {  	[tilespmem:s30+$0xFFFFFF90] =	vst v0  }
0xb4: {  	v0 =	vld [tilespmem:s0+$0xFFFFFFA0];
	_ =	sdelay $0x4  }
0xb5: {  	v0 =	vmul.f32 $8.000000000e+00, v0;
	_ =	sdelay $0x1  }
0xb6: {  	[tilespmem:s30+$0xFFFFFFA0] =	vst v0  }
0xb7: {  	v0 =	vld [tilespmem:s0+$0xFFFFFFB0];
	_ =	sdelay $0x4  }
0xb8: {  	v0 =	vmul.f32 $8.000000000e+00, v0;
	_ =	sdelay $0x1  }
0xb9: {  	[tilespmem:s30+$0xFFFFFFB0] =	vst v0  }
0xba: {  	v0 =	vld [tilespmem:s0+$0x0];
	_ =	sdelay $0x4  }
0xbb: {  	v0 =	vmul.f32 $8.000000000e+00, v0;
	_ =	sdelay $0x1  }
0xbc: {  	[tilespmem:s30+$0x0] =	vst v0  }
0xbd: {  	v0 =	vld [tilespmem:s0+$0x10];
	_ =	sdelay $0x4  }
0xbe: {  	v0 =	vmul.f32 $8.000000000e+00, v0;
	_ =	sdelay $0x1  }
0xbf: {  	[tilespmem:s30+$0x10] =	vst v0  }
0xc0: {  	v0 =	vld [tilespmem:s0+$0x20];
	_ =	sdelay $0x4  }
0xc1: {  	v0 =	vmul.f32 $8.000000000e+00, v0;
	_ =	sdelay $0x1  }
0xc2: {  	[tilespmem:s30+$0x20] =	vst v0  }
0xc3: {  	v0 =	vld [tilespmem:s0+$0x30];
	_ =	sdelay $0x4  }
0xc4: {  	v0 =	vmul.f32 $8.000000000e+00, v0;
	_ =	sdelay $0x1  }
0xc5: {  	[tilespmem:s30+$0x30] =	vst v0  }
0xc6: {  	v0 =	vld [tilespmem:s0+$0x80];
	_ =	sdelay $0x4  }
0xc7: {  	v0 =	vmul.f32 $8.000000000e+00, v0;
	_ =	sdelay $0x1  }
0xc8: {  	[tilespmem:s30+$0x80] =	vst v0  }
0xc9: {  	v0 =	vld [tilespmem:s0+$0x90];
	_ =	sdelay $0x4  }
0xca: {  	v0 =	vmul.f32 $8.000000000e+00, v0;
	_ =	sdelay $0x1  }
0xcb: {  	[tilespmem:s30+$0x90] =	vst v0  }
0xcc: {  	v0 =	vld [tilespmem:s0+$0xA0];
	_ =	sdelay $0x4  }
0xcd: {  	v0 =	vmul.f32 $8.000000000e+00, v0;
	_ =	sdelay $0x1  }
0xce: {  	[tilespmem:s30+$0xA0] =	vst v0  }
0xcf: {  	v0 =	vld [tilespmem:s0+$0xB0];
	_ =	sdelay $0x4  }
0xd0: {  	v0 =	vmul.f32 $8.000000000e+00, v0;
	_ =	sdelay $0x1  }
0xd1: {  	[tilespmem:s30+$0xB0] =	vst v0  }
0xd2: {  	v0 =	vld [tilespmem:s0+$0x100];
	_ =	sdelay $0x4  }
0xd3: {  	v0 =	vmul.f32 $8.000000000e+00, v0;
	_ =	sdelay $0x1  }
0xd4: {  	[tilespmem:s30+$0x100] =	vst v0  }
0xd5: {  	v0 =	vld [tilespmem:s0+$0x110];
	_ =	sdelay $0x4  }
0xd6: {  	v0 =	vmul.f32 $8.000000000e+00, v0;
	_ =	sdelay $0x1  }
0xd7: {  	[tilespmem:s30+$0x110] =	vst v0  }
0xd8: {  	v0 =	vld [tilespmem:s0+$0x120];
	_ =	sdelay $0x4  }
0xd9: {  	v0 =	vmul.f32 $8.000000000e+00, v0;
	_ =	sdelay $0x1  }
0xda: {  	[tilespmem:s30+$0x120] =	vst v0  }
0xdb: {  	v0 =	vld [tilespmem:s0+$0x130];
	_ =	sdelay $0x4  }
0xdc: {  	v0 =	vmul.f32 $8.000000000e+00, v0;
	_ =	sdelay $0x1  }
0xdd: {  	[tilespmem:s30+$0x130] =	vst v0  }
0xde: {  	v0 =	vld [tilespmem:s0+$0x180];
	_ =	sdelay $0x4  }
0xdf: {  	v0 =	vmul.f32 $8.000000000e+00, v0;
	_ =	sdelay $0x1  }
0xe0: {  	[tilespmem:s30+$0x180] =	vst v0  }
0xe1: {  	v0 =	vld [tilespmem:s0+$0x190];
	_ =	sdelay $0x4  }
0xe2: {  	v0 =	vmul.f32 $8.000000000e+00, v0;
	_ =	sdelay $0x1  }
0xe3: {  	[tilespmem:s30+$0x190] =	vst v0  }
0xe4: {  	v0 =	vld [tilespmem:s0+$0x1A0];
	_ =	sdelay $0x4  }
0xe5: {  	v0 =	vmul.f32 $8.000000000e+00, v0;
	_ =	sdelay $0x1  }
0xe6: {  	[tilespmem:s30+$0x1A0] =	vst v0  }
0xe7: {  	v0 =	vld [tilespmem:s0+$0x1B0];
	_ =	sdelay $0x2  }
.Ltmp0:
0xe8: {  	(pc) =	sbr.rel @p0 .LBB2_3-.Ltmp0, $3  }
0xe9: {  	_ = 	snop  }
0xea: {  	v0 =	vmul.f32 $8.000000000e+00, v0;
	_ =	sdelay $0x1  }
0xeb: {  	s0 =	sadd.s32 $0x400, s0;
	[tilespmem:s30+$0x1B0] =	vst v0  }
0xec: {  	s0 =	smul.u32 $0xC80, s28;
	_ =	sdelay $0x1  }
0xed: {  	s0 =	sadd.s32 s6, s0  }
0xee: {  	[hbm4b:s0+s3] =	stream.linear.scatter [tilespmem:s20], [sflag:$0x3], $0x6400, $0x38;
	[tilespmem:$0x19200] =	vst v63  }
0xef: {  	_ =	swait.ge [sflag:s21], $0x3200  }
0xf0: {  	[sflag:s21] =	ssyncset.done $0x0  }
0xf1: {  	[sflag:s21] =	ssyncadd.s32 $0xFFFFCE00  }
0xf2: {  	_ =	swait.ge [sflag:s21], $0x3200  }
0xf3: {  	p0 =	seq.s32 s26, $0x3F;
	[sflag:s21] =	ssyncset.done $0x0  }
0xf4: {  	s0 =	simm.s32 @!p0 $0x3;
	[sflag:s21] =	ssyncadd.s32 $0xFFFFCE00  }
0xf5: {  	s29 =	sadd.s32 @!p0 s29, s8;
	_ =	swait.ge @!p0 [sflag:s0], $0x6400  }
0xf6: {  	s29 =	sshll.u32 @!p0 s29, $0x5;
	[sflag:s0] =	ssyncset.done @!p0 $0x0  }
0xf7: {  	[sflag:s0] =	ssyncadd.s32 @!p0 $0xFFFF9C00;
	s0 =	sadd.s32 @!p0 s1, s29;
	s29 =	simm.s32 @!p0 $0x0  }
0xf8: {  	[tilespmem:s29], [sflag:$0x5] =	stream.linear.gather @!p0 [hbm4b:s0+s29], $0x100, $0x38;
	[tilespmem:$0x19200] =	vst v63  }
0xf9: {  	s0 =	simm.s32 @!p0 $0x5  }
0xfa: {  	_ =	swait.ge @!p0 [sflag:s0], $0x100  }
0xfb: {  	[sflag:s0] =	ssyncset.done @!p0 $0x0  }
0xfc: {  	s30 =	simm.s32 @!p0 $0x200;
	[sflag:s0] =	ssyncadd.s32 @!p0 $0xFFFFFF00;
	s0 =	simm.s32 @!p0 $0x64  }
0xfd: {  	[tilespmem:s30], [sflag:$0x1] =	stream.indirect.gather @!p0 [hbm4b:s5+s0], $0x80, s29, s0, $0xb8;
	[tilespmem:$0x19200] =	vst v63  }
0xfe: {  	s29 =	simm.s32 @!p0 $0x80;
	s30 =	simm.s32 @!p0 $0x3400  }
0xff: {  	[tilespmem:s30], [sflag:$0x1] =	stream.indirect.gather @!p0 [hbm4b:s5+s0], $0x80, s29, s0, $0xb8;
	[tilespmem:$0x19200] =	vst v63  }
0x100: {  	s0 =	simm.s32 $0x0  }
0x101: {  	v0 =	vld [tilespmem:s0+$0x69B0]  }
0x102: {  	v1 =	vld [tilespmem:s0+$0x6600]  }
0x103: {  	v2 =	vld [tilespmem:s0+$0x6610]  }
0x104: {  	v3 =	vld [tilespmem:s0+$0x6620]  }
0x105: {  	v4 =	vld [tilespmem:s0+$0x6630]  }
0x106: {  	v5 =	vld [tilespmem:s0+$0x6680];
	v0 =	vmul.f32 $8.000000000e+00, v0  }
0x107: {  	v6 =	vld [tilespmem:s0+$0x6690];
	v1 =	vmul.f32 $8.000000000e+00, v1  }
0x108: {  	v7 =	vld [tilespmem:s0+$0x66A0];
	[tilespmem:s0+$0x131B0] =	vst v0;
	v0 =	vmul.f32 $8.000000000e+00, v2  }
0x109: {  	[tilespmem:s0+$0x12E00] =	vst v1;
	v1 =	vld [tilespmem:s0+$0x66B0];
	v2 =	vmul.f32 $8.000000000e+00, v3  }
0x10a: {  	v3 =	vmul.f32 $8.000000000e+00, v4;
	[tilespmem:s0+$0x12E10] =	vst v0;
	v0 =	vld [tilespmem:s0+$0x6700]  }
0x10b: {  	v4 =	vmul.f32 $8.000000000e+00, v5;
	[tilespmem:s0+$0x12E20] =	vst v2;
	v2 =	vld [tilespmem:s0+$0x6710]  }
0x10c: {  	v5 =	vmul.f32 $8.000000000e+00, v6;
	[tilespmem:s0+$0x12E30] =	vst v3;
	v3 =	vld [tilespmem:s0+$0x6720]  }
0x10d: {  	v6 =	vmul.f32 $8.000000000e+00, v7;
	[tilespmem:s0+$0x12E80] =	vst v4;
	v4 =	vld [tilespmem:s0+$0x6730]  }
0x10e: {  	[tilespmem:s0+$0x12E90] =	vst v5;
	v5 =	vld [tilespmem:s0+$0x6780];
	v1 =	vmul.f32 $8.000000000e+00, v1  }
0x10f: {  	[tilespmem:s0+$0x12EA0] =	vst v6;
	v6 =	vld [tilespmem:s0+$0x6790];
	v0 =	vmul.f32 $8.000000000e+00, v0  }
0x110: {  	[tilespmem:s0+$0x12EB0] =	vst v1;
	v1 =	vld [tilespmem:s0+$0x67A0];
	v2 =	vmul.f32 $8.000000000e+00, v2  }
0x111: {  	v3 =	vmul.f32 $8.000000000e+00, v3;
	[tilespmem:s0+$0x12F00] =	vst v0;
	v0 =	vld [tilespmem:s0+$0x67B0]  }
0x112: {  	v4 =	vmul.f32 $8.000000000e+00, v4;
	[tilespmem:s0+$0x12F10] =	vst v2;
	v2 =	vld [tilespmem:s0+$0x6800]  }
0x113: {  	v5 =	vmul.f32 $8.000000000e+00, v5;
	[tilespmem:s0+$0x12F20] =	vst v3;
	v3 =	vld [tilespmem:s0+$0x6810]  }
0x114: {  	v6 =	vmul.f32 $8.000000000e+00, v6;
	[tilespmem:s0+$0x12F30] =	vst v4;
	v4 =	vld [tilespmem:s0+$0x6820]  }
0x115: {  	[tilespmem:s0+$0x12F80] =	vst v5;
	v5 =	vld [tilespmem:s0+$0x6830];
	v1 =	vmul.f32 $8.000000000e+00, v1  }
0x116: {  	[tilespmem:s0+$0x12F90] =	vst v6;
	v6 =	vld [tilespmem:s0+$0x6880];
	v0 =	vmul.f32 $8.000000000e+00, v0  }
0x117: {  	v7 =	vld [tilespmem:s0+$0x68A0];
	[tilespmem:s0+$0x12FA0] =	vst v1;
	v2 =	vmul.f32 $8.000000000e+00, v2  }
0x118: {  	v1 =	vld [tilespmem:s0+$0x6890];
	[tilespmem:s0+$0x12FB0] =	vst v0;
	v0 =	vmul.f32 $8.000000000e+00, v3  }
0x119: {  	v8 =	vld [tilespmem:s0+$0x68B0];
	[tilespmem:s0+$0x13000] =	vst v2;
	v2 =	vmul.f32 $8.000000000e+00, v4  }
0x11a: {  	v4 =	vld [tilespmem:s0+$0x6900];
	[tilespmem:s0+$0x13010] =	vst v0;
	v0 =	vmul.f32 $8.000000000e+00, v5  }
0x11b: {  	v3 =	vmul.f32 $8.000000000e+00, v6;
	[tilespmem:s0+$0x13020] =	vst v2;
	v2 =	vld [tilespmem:s0+$0x6910]  }
0x11c: {  	v6 =	vmul.f32 $8.000000000e+00, v7;
	[tilespmem:s0+$0x13030] =	vst v0;
	v0 =	vld [tilespmem:s0+$0x6920]  }
0x11d: {  	[tilespmem:s0+$0x13080] =	vst v3;
	v5 =	vmul.f32 $8.000000000e+00, v1;
	v1 =	vld [tilespmem:s0+$0x6930]  }
0x11e: {  	v3 =	vld [tilespmem:s0+$0x6980];
	[tilespmem:s0+$0x130A0] =	vst v6;
	v6 =	vmul.f32 $8.000000000e+00, v8  }
0x11f: {  	s29 =	simm.s32 $0x0;
	s30 =	simm.s32 $0x1000;
	[tilespmem:s0+$0x13090] =	vst v5;
	v5 =	vmul.f32 $8.000000000e+00, v4;
	v4 =	vld [tilespmem:s0+$0x6990]  }
.LBB2_5:
0x120: {  	s31 =	sshra.s32 s30, $0x2;
	s29 =	sadd.s32 $0x8, s29;
	[tilespmem:s0+$0x130B0] =	vst v6;
	v2 =	vmul.f32 $8.000000000e+00, v2;
	v6 =	vld [tilespmem:s0+$0x69A0]  }
0x121: {  	v7 =	vld [tilespmem:s31+$0x69B0];
	p0 =	slt.u32 s29, $0xC0;
	[tilespmem:s0+$0x13100] =	vst v5;
	v0 =	vmul.f32 $8.000000000e+00, v0  }
0x122: {  	v5 =	vld [tilespmem:s31+$0x6600];
	[tilespmem:s0+$0x13110] =	vst v2;
	v1 =	vmul.f32 $8.000000000e+00, v1  }
0x123: {  	v2 =	vld [tilespmem:s31+$0x6610];
	[tilespmem:s0+$0x13120] =	vst v0;
	v0 =	vmul.f32 $8.000000000e+00, v3  }
0x124: {  	v3 =	vld [tilespmem:s31+$0x6620];
	[tilespmem:s0+$0x13130] =	vst v1;
	v1 =	vmul.f32 $8.000000000e+00, v4  }
0x125: {  	v4 =	vld [tilespmem:s31+$0x6630];
	[tilespmem:s0+$0x13180] =	vst v0;
	v0 =	vmul.f32 $8.000000000e+00, v6  }
0x126: {  	v6 =	vld [tilespmem:s31+$0x6680];
	v7 =	vmul.f32 $8.000000000e+00, v7;
	[tilespmem:s0+$0x13190] =	vst v1  }
0x127: {  	v1 =	vmul.f32 $8.000000000e+00, v5;
	v5 =	vld [tilespmem:s31+$0x6690];
	[tilespmem:s0+$0x131A0] =	vst v0;
	s0 =	smov.u32 s31  }
0x128: {  	v0 =	vmul.f32 $8.000000000e+00, v2;
	v2 =	vld [tilespmem:s0+$0x66A0];
	[tilespmem:s0+$0x131B0] =	vst v7  }
0x129: {  	[tilespmem:s0+$0x12E00] =	vst v1;
	v1 =	vmul.f32 $8.000000000e+00, v3;
	v3 =	vld [tilespmem:s0+$0x66B0]  }
0x12a: {  	[tilespmem:s0+$0x12E10] =	vst v0;
	v0 =	vmul.f32 $8.000000000e+00, v4;
	v4 =	vld [tilespmem:s0+$0x6700]  }
0x12b: {  	[tilespmem:s0+$0x12E20] =	vst v1;
	v1 =	vmul.f32 $8.000000000e+00, v6;
	v6 =	vld [tilespmem:s0+$0x6710]  }
0x12c: {  	[tilespmem:s0+$0x12E30] =	vst v0;
	v0 =	vmul.f32 $8.000000000e+00, v5;
	v5 =	vld [tilespmem:s0+$0x6720]  }
0x12d: {  	[tilespmem:s0+$0x12E80] =	vst v1;
	v1 =	vmul.f32 $8.000000000e+00, v2;
	v2 =	vld [tilespmem:s0+$0x6730]  }
0x12e: {  	[tilespmem:s0+$0x12E90] =	vst v0;
	v0 =	vmul.f32 $8.000000000e+00, v3;
	v3 =	vld [tilespmem:s0+$0x6780]  }
0x12f: {  	[tilespmem:s0+$0x12EA0] =	vst v1;
	v1 =	vmul.f32 $8.000000000e+00, v4;
	v4 =	vld [tilespmem:s0+$0x6790]  }
0x130: {  	[tilespmem:s0+$0x12EB0] =	vst v0;
	v0 =	vmul.f32 $8.000000000e+00, v6;
	v6 =	vld [tilespmem:s0+$0x67A0]  }
0x131: {  	[tilespmem:s0+$0x12F00] =	vst v1;
	v1 =	vmul.f32 $8.000000000e+00, v5;
	v5 =	vld [tilespmem:s0+$0x67B0]  }
0x132: {  	[tilespmem:s0+$0x12F10] =	vst v0;
	v0 =	vmul.f32 $8.000000000e+00, v2;
	v2 =	vld [tilespmem:s0+$0x6800]  }
0x133: {  	[tilespmem:s0+$0x12F20] =	vst v1;
	v1 =	vmul.f32 $8.000000000e+00, v3;
	v3 =	vld [tilespmem:s0+$0x6810]  }
0x134: {  	[tilespmem:s0+$0x12F30] =	vst v0;
	v0 =	vmul.f32 $8.000000000e+00, v4;
	v4 =	vld [tilespmem:s0+$0x6820]  }
0x135: {  	[tilespmem:s0+$0x12F80] =	vst v1;
	v1 =	vmul.f32 $8.000000000e+00, v6;
	v6 =	vld [tilespmem:s0+$0x6830]  }
0x136: {  	[tilespmem:s0+$0x12F90] =	vst v0;
	v0 =	vmul.f32 $8.000000000e+00, v5;
	v5 =	vld [tilespmem:s0+$0x6880]  }
0x137: {  	[tilespmem:s0+$0x12FA0] =	vst v1;
	v1 =	vmul.f32 $8.000000000e+00, v2;
	v7 =	vld [tilespmem:s0+$0x6890]  }
0x138: {  	[tilespmem:s0+$0x12FB0] =	vst v0;
	v0 =	vmul.f32 $8.000000000e+00, v3;
	v3 =	vld [tilespmem:s0+$0x68A0]  }
0x139: {  	[tilespmem:s0+$0x13000] =	vst v1;
	v1 =	vmul.f32 $8.000000000e+00, v4;
	v4 =	vld [tilespmem:s0+$0x68B0]  }
0x13a: {  	[tilespmem:s0+$0x13010] =	vst v0;
	v0 =	vmul.f32 $8.000000000e+00, v6;
	v8 =	vld [tilespmem:s0+$0x6900]  }
.Ltmp1:
0x13b: {  	[tilespmem:s0+$0x13020] =	vst v1;
	v1 =	vmul.f32 $8.000000000e+00, v5;
	v2 =	vld [tilespmem:s0+$0x6910];
	(pc) =	sbr.rel @p0 .LBB2_5-.Ltmp1, $4  }
0x13c: {  	[tilespmem:s0+$0x13030] =	vst v0;
	v5 =	vmul.f32 $8.000000000e+00, v7;
	v0 =	vld [tilespmem:s0+$0x6920]  }
0x13d: {  	[tilespmem:s0+$0x13080] =	vst v1;
	v7 =	vmul.f32 $8.000000000e+00, v3;
	v1 =	vld [tilespmem:s0+$0x6930]  }
0x13e: {  	[tilespmem:s0+$0x13090] =	vst v5;
	v6 =	vmul.f32 $8.000000000e+00, v4;
	v3 =	vld [tilespmem:s0+$0x6980]  }
0x13f: {  	s30 =	sadd.s32 $0x1000, s30;
	[tilespmem:s0+$0x130A0] =	vst v7;
	v5 =	vmul.f32 $8.000000000e+00, v8;
	v4 =	vld [tilespmem:s0+$0x6990]  }
0x140: {  	[tilespmem:s0+$0x130B0] =	vst v6;
	v2 =	vmul.f32 $8.000000000e+00, v2;
	v60 =	vld [tilespmem:s0+$0x69A0]  }
0x141: {  	[tilespmem:s0+$0x13100] =	vst v5;
	v0 =	vmul.f32 $8.000000000e+00, v0  }
0x142: {  	s26 =	sadd.s32 $0x1, s26;
	[tilespmem:s0+$0x13110] =	vst v2;
	v1 =	vmul.f32 $8.000000000e+00, v1  }
0x143: {  	s28 =	smul.u32 $0x6400, s28;
	p0 =	sne.s32 s26, $0x40;
	[tilespmem:s0+$0x13120] =	vst v0;
	v61 =	vmul.f32 $8.000000000e+00, v3  }
.Ltmp2:
0x144: {  	[tilespmem:s0+$0x13130] =	vst v1;
	v62 =	vmul.f32 $8.000000000e+00, v4;
	(pc) =	sbr.rel @p0 .LBB2_2-.Ltmp2, $4  }
0x145: {  	s28 =	sshrl.u32 s28, $0x3;
	[tilespmem:s0+$0x13180] =	vst v61;
	v63 =	vmul.f32 $8.000000000e+00, v60  }
0x146: {  	s28 =	sadd.s32 s6, s28;
	[tilespmem:s0+$0x13190] =	vst v62  }
0x147: {  	s31 =	sadd.s32 $0xC80, s28;
	[tilespmem:s0+$0x131A0] =	vst v63  }
0x148: {  	[hbm4b:s31+s3] =	stream.linear.scatter [tilespmem:s22], [sflag:$0x4], $0x6400, $0x38;
	[tilespmem:$0x19200] =	vst v63  }
0x149: {  	s25 =	sadd.s32 $0x1, s25  }
0x14a: {  	_ =	swait.ge [sflag:s23], $0x6400;
	p0 =	sne.s32 s25, s9  }
.Ltmp3:
0x14b: {  	[sflag:s23] =	ssyncset.done $0x0;
	(pc) =	sbr.rel @p0 .LBB2_1-.Ltmp3, $4  }
0x14c: {  	[sflag:s23] =	ssyncadd.s32 $0xFFFF9C00  }
0x14d: {  	_ =	swait.ge [sflag:s24], $0x6400  }
0x14e: {  	[sflag:s24] =	ssyncset.done $0x0  }
0x14f: {  	[sflag:s24] =	ssyncadd.s32 $0xFFFF9C00  }
0x150: {  	_ =	sfence.sel $0x180000  }
0x151: {  	[bflag:$0x0] =	sbarrier.arrive $0xFFFF  }
0x152: {  	_ =	strace $0x90000047  }
0x153: {  	[bflag:$0x2] =	sbarrier.arrive $0xFFFF  }
0x154: {  	p0 =	sne.s32 s2, $0x0;
	s0 =	rddreg [dreg:$0x2]  }
0x155: {  	s0 =	sadd.s32 @!p0 $0x100000, s0  }
0x156: {  	[sflag:s0] =	ssyncadd.tile.s32 @!p0 $0x1;
	_ =	shalt  }
.Lfunc_end2:
_tile_overlayer_lowered:
.L_overlay_start_2:
0x157: {  	(tag) =	ssettag $0x2  }
0x158: {  	s0 =	rddreg [dreg:$0x0];
	s2 =	stileid.u32  }
0x159: {  	s1 =	rddreg [dreg:$0x1];
	p0 =	sne.s32 s2, $0x0  }
0x15a: {  	s3 =	rddreg [dreg:$0x2];
	[bflag:$0x3] =	sbarrier.arrive $0xFFFF;
	s2 =	simm.s32 @!p0 $0x1C05  }
0x15b: {  	[timem:s3], [sflag:s2] =	dma.local @!p0 [hbm:s0], s1  }
0x15c: {  	s0 =	simm.s32 @!p0 $0x5  }
0x15d: {  	_ =	swait.ge @!p0 [sflag:s0], s1  }
0x15e: {  	s1 =	ssub.s32 @!p0 $0x0, s1;
	[sflag:s0] =	ssyncset.done @!p0 $0x0  }
0x15f: {  	[sflag:s0] =	ssyncadd.s32 @!p0 s1  }
0x160: {  	[bflag:$0x3] =	sbarrier.arrive $0xFFFF  }
0x161: {  	_ =	shalt  }

</sc_bundles>
